<compile_context>
chip_gen: v7x
topology: tpu7x:2x2x1
jax: 0.10.2.dev20260603
libtpu: 0.0.44.dev20260713+nightly
codegen_flags: <defaults>
</compile_context>

<pallas_src>
import functools

import jax
import jax.numpy as jnp
from jax import lax
from jax.experimental import pallas as pl
from jax.experimental.pallas import tpu as pltpu
from jax.experimental.pallas import tpu_sc as plsc

B = 16384
D = 32
NSK = 8
NUM_SKILL_COLS = 65
OUT_D = D + 4 + NUM_SKILL_COLS
OUT_P = 128
NW = 32
BPW = B // NW
AGE_MEAN = 45.0
AGE_STD = 20.0

_K1_C = 6272
_NB = 4
_S = _NB * _K1_C


def _k1_body(t0, t1, t2, t3, out):
    x = jnp.concatenate([t0[...], t1[...], t2[...], t3[...]], axis=0)
    out[...] = x.T


_k1 = pl.pallas_call(
    _k1_body,
    grid=(_NB,),
    in_specs=[
        pl.BlockSpec((D, _K1_C), lambda i, k=k: (0, i + k * _NB))
        for k in range(4)
    ],
    out_specs=pl.BlockSpec((_K1_C, OUT_P), lambda i: (i, 0)),
    out_shape=jax.ShapeDtypeStruct((_S, OUT_P), jnp.float32),
)



def _body(table_hbm, pid_hbm, age_hbm, freq_hbm, lat_hbm, lon_hbm,
          skills_hbm, out_hbm, idx_v, rows_v, skills_v, age_v, freq_v,
          lat_v, lon_v, slab, sem, sem2):
    c = lax.axis_index("c")
    s = lax.axis_index("s")
    wid = s * 2 + c
    base = wid * BPW

    pltpu.sync_copy(pid_hbm.at[pl.ds(base, BPW)], idx_v)

    one = jnp.ones((16,), jnp.int32)
    nil = jnp.zeros((16,), jnp.int32)

    @plsc.parallel_loop(0, BPW // 16, unroll=4)
    def _remap(i):
        r = idx_v[pl.ds(i * 16, 16)]
        a = (jnp.where(r >= _S, one, nil) + jnp.where(r >= 2 * _S, one, nil)
             + jnp.where(r >= 3 * _S, one, nil))
        idx_v[pl.ds(i * 16, 16)] = (r - a * _S) * 4 + a

    gathers = [
        pltpu.async_copy(table_hbm.at[idx_v.at[pl.ds(g * 128, 128)]],
                         rows_v.at[pl.ds(g * 128, 128)], sem)
        for g in range(4)
    ]
    pltpu.sync_copy(skills_hbm.at[pl.ds(wid * 4, 4)], skills_v)
    pltpu.sync_copy(age_hbm.at[pl.ds(base, BPW)], age_v)
    pltpu.sync_copy(freq_hbm.at[pl.ds(base, BPW)], freq_v)
    pltpu.sync_copy(lat_hbm.at[pl.ds(base, BPW)], lat_v)
    pltpu.sync_copy(lon_hbm.at[pl.ds(base, BPW)], lon_v)

    iota = lax.iota(jnp.int32, 16)
    zeros = jnp.zeros((16,), jnp.float32)
    ones = jnp.ones((16,), jnp.float32)
    iota_row = iota * OUT_P

    handles = []
    for ch in range(4):
        r0 = ch * 128

        @plsc.parallel_loop(0, 128, unroll=8)
        def _zero(r, r0=r0):
            o = (r0 + r) * OUT_P
            slab[pl.ds(o + 36, 16)] = zeros
            slab[pl.ds(o + 52, 16)] = zeros
            slab[pl.ds(o + 68, 16)] = zeros
            slab[pl.ds(o + 84, 16)] = zeros
            slab[pl.ds(o + 85, 16)] = zeros

        @plsc.parallel_loop(0, NSK * NSK, unroll=8)
        def _mh(j, ch=ch, r0=r0):
            k = lax.shift_right_logical(j, 3)
            p = lax.bitwise_and(j, 7)
            sk = skills_v[ch, k, pl.ds(p * 16, 16)]
            flat = (r0 + p * 16) * OUT_P + iota_row + 36 + sk
            plsc.store_scatter(slab, [flat], ones)

        @plsc.parallel_loop(0, 8, unroll=4)
        def _scal(i, r0=r0):
            b16 = r0 + i * 16
            flat = b16 * OUT_P + iota_row + D
            a = (age_v[pl.ds(b16, 16)] - AGE_MEAN) / AGE_STD
            plsc.store_scatter(slab, [flat], a)
            plsc.store_scatter(slab, [flat + 1], freq_v[pl.ds(b16, 16)])
            plsc.store_scatter(slab, [flat + 2], lat_v[pl.ds(b16, 16)])
            plsc.store_scatter(slab, [flat + 3], lon_v[pl.ds(b16, 16)])

        gathers[ch].wait()

        @plsc.parallel_loop(0, 128, unroll=8)
        def _emb(r, r0=r0):
            o = (r0 + r) * OUT_P
            slab[pl.ds(o, 16)] = rows_v[r0 + r, pl.ds(0, 16)]
            slab[pl.ds(o + 16, 16)] = rows_v[r0 + r, pl.ds(16, 16)]

        handles.append(pltpu.async_copy(
            slab.at[pl.ds(r0 * OUT_P, 128 * OUT_P)],
            out_hbm.at[pl.ds((base + r0) * OUT_P, 128 * OUT_P)], sem2))

    for h in handles:
        h.wait()


_patient_sc = functools.partial(
    pl.kernel,
    out_type=jax.ShapeDtypeStruct((B * OUT_P,), jnp.float32),
    mesh=plsc.VectorSubcoreMesh(core_axis_name="c", subcore_axis_name="s"),
    compiler_params=pltpu.CompilerParams(
        needs_layout_passes=False, use_tc_tiling_on_sc=False),
    scratch_types=[
        pltpu.VMEM((BPW,), jnp.int32),
        pltpu.VMEM((BPW, D), jnp.float32),
        pltpu.VMEM((4, NSK, 128), jnp.int32),
        pltpu.VMEM((BPW,), jnp.float32),
        pltpu.VMEM((BPW,), jnp.float32),
        pltpu.VMEM((BPW,), jnp.float32),
        pltpu.VMEM((BPW,), jnp.float32),
        pltpu.VMEM((BPW * OUT_P,), jnp.float32),
        pltpu.SemaphoreType.DMA,
        pltpu.SemaphoreType.DMA,
    ],
)(_body)

_K3_RB = 4096


def _k3_body(fin, out):
    x = fin[...]
    out[...] = x.T[:OUT_D, :]


_k3 = pl.pallas_call(
    _k3_body,
    grid=(B // _K3_RB,),
    in_specs=[pl.BlockSpec((_K3_RB, OUT_P), lambda i: (i, 0))],
    out_specs=pl.BlockSpec((OUT_D, _K3_RB), lambda i: (0, i)),
    out_shape=jax.ShapeDtypeStruct((OUT_D, B), jnp.float32),
)


@jax.jit
def kernel(patient_id, patient_age, patient_dialysis_freq,
           patient_dialysis_latitude, patient_dialysis_longitude,
           patient_skills, emb_table):
    pid = patient_id.astype(jnp.int32)
    skills_n = jnp.transpose(
        patient_skills.astype(jnp.int32).reshape(128, 128, NSK), (0, 2, 1))
    tt = emb_table.T
    table_lin = _k1(tt, tt, tt, tt).reshape(4 * _S, D)
    flat = _patient_sc(table_lin, pid, patient_age, patient_dialysis_freq,
                       patient_dialysis_latitude,
                       patient_dialysis_longitude, skills_n)
    return _k3(flat.reshape(B, OUT_P)).T

# --- scband reference (transcript-rebuilt; emitter-appended) ---
"""Pipeline reference for scband-patient-network-86199993631085 (READ-ONLY COPY).

The authoritative reference and input builder live on the scoring server;
editing this copy changes nothing except your own understanding.
"""

import jax, jax.numpy as jnp
import numpy as np

NUM_PATIENTS = 100000
EMB_DIM = 32
NUM_SKILLS = 64
SKILLS_PER_PATIENT = 8
BATCH = 16384
AGE_MEAN = 45.0
AGE_VAR = 400.0


def setup_inputs(seed: int = 0) -> dict:
    key = jax.random.key(seed)
    ks = jax.random.split(key, 8)
    patient_id = jax.random.randint(ks[0], (BATCH,), 0, NUM_PATIENTS + 1)
    patient_age = jax.random.uniform(ks[1], (BATCH,), dtype=jnp.float32) * 80.0
    patient_dialysis_freq = jax.random.uniform(ks[2], (BATCH,), dtype=jnp.float32) * 3.0
    patient_dialysis_latitude = jax.random.normal(ks[3], (BATCH,), dtype=jnp.float32) * 10.0
    patient_dialysis_longitude = jax.random.normal(ks[4], (BATCH,), dtype=jnp.float32) * 20.0
    patient_skills = jax.random.randint(ks[5], (BATCH, SKILLS_PER_PATIENT), 0, NUM_SKILLS + 1)
    emb_table = jax.random.normal(ks[6], (NUM_PATIENTS + 1, EMB_DIM), dtype=jnp.float32) * 0.05
    return {
        "patient_id": patient_id,
        "patient_age": patient_age,
        "patient_dialysis_freq": patient_dialysis_freq,
        "patient_dialysis_latitude": patient_dialysis_latitude,
        "patient_dialysis_longitude": patient_dialysis_longitude,
        "patient_skills": patient_skills,
        "emb_table": emb_table,
    }


def reference(patient_id, patient_age, patient_dialysis_freq,
              patient_dialysis_latitude, patient_dialysis_longitude,
              patient_skills, emb_table):
    # patient_embedding: StringLookup -> int id (already ints here) -> Embedding(vocab+1, 32)
    pid_emb = jnp.take(emb_table, patient_id, axis=0)
    # patient_age_embedding: Normalization (adapted mean/var constants) -> Reshape((1,))
    age = ((patient_age - AGE_MEAN) / jnp.sqrt(AGE_VAR)).reshape(-1, 1)
    freq = patient_dialysis_freq.reshape(-1, 1)
    lat = patient_dialysis_latitude.reshape(-1, 1)
    lon = patient_dialysis_longitude.reshape(-1, 1)
    # patient_skills_embedding: StringLookup output_mode='multi_hot' -> [B, NUM_SKILLS+1]
    B = patient_skills.shape[0]
    rows = jnp.arange(B)[:, None]
    multi_hot = jnp.zeros((B, NUM_SKILLS + 1), dtype=jnp.float32).at[rows, patient_skills].set(1.0)
    return jnp.concatenate([pid_emb, age, freq, lat, lon, multi_hot], axis=-1)

if __name__ == "__main__":
    import jax
    _d = setup_inputs()
    print(jax.jit(kernel)(*tuple(_d.values())))

</pallas_src>

<mosaic_0001>
#map = affine_map<(d0, d1) -> (0, 0)>
#map1 = affine_map<(d0, d1) -> (0)>
#map2 = affine_map<(d0, d1) -> (0, 0, 0)>
module attributes {stable_mosaic.version = 14 : i64} {
  func.func @_body(%arg0: i32, %arg1: i32, %arg2: memref<100352x32xf32, #tpu.memory_space<hbm>>, %arg3: memref<16384xi32, #tpu.memory_space<hbm>>, %arg4: memref<16384xf32, #tpu.memory_space<hbm>>, %arg5: memref<16384xf32, #tpu.memory_space<hbm>>, %arg6: memref<16384xf32, #tpu.memory_space<hbm>>, %arg7: memref<16384xf32, #tpu.memory_space<hbm>>, %arg8: memref<128x8x128xi32, #tpu.memory_space<hbm>>, %arg9: memref<2097152xf32, #tpu.memory_space<hbm>>, %arg10: memref<512xi32, #tpu.memory_space<vmem>>, %arg11: memref<512x32xf32, #tpu.memory_space<vmem>>, %arg12: memref<4x8x128xi32, #tpu.memory_space<vmem>>, %arg13: memref<512xf32, #tpu.memory_space<vmem>>, %arg14: memref<512xf32, #tpu.memory_space<vmem>>, %arg15: memref<512xf32, #tpu.memory_space<vmem>>, %arg16: memref<512xf32, #tpu.memory_space<vmem>>, %arg17: memref<65536xf32, #tpu.memory_space<vmem>>, %arg18: memref<!tpu.dma_semaphore, #tpu.memory_space<semaphore_mem>>, %arg19: memref<!tpu.dma_semaphore, #tpu.memory_space<semaphore_mem>>) attributes {dimension_semantics = [#tpu.dimension_semantics<core_parallel>, #tpu.dimension_semantics<subcore_parallel>], iteration_bounds = array<i64: 2, 16>, scalar_prefetch = 0 : i64, scratch_operands = 10 : i64, tpu.core_type = #tpu.core_type<sc_vector_subcore>, window_params = [{transform_indices = #map}, {transform_indices = #map1}, {transform_indices = #map1}, {transform_indices = #map1}, {transform_indices = #map1}, {transform_indices = #map1}, {transform_indices = #map2}, {transform_indices = #map1}]} {
    %mul3A = arith.constant 2 : i32
    %mul3A_0 = arith.muli %arg1, %mul3A : i32
    %add3A = arith.addi %mul3A_0, %arg0 : i32
    %mul3A_1 = arith.constant 512 : i32
    %mul3A_2 = arith.muli %add3A, %mul3A_1 : i32
    "tpu.region"() ({
      %run_scoped3A = tpu.sem_alloc : memref<!tpu.dma_semaphore, #tpu.memory_space<semaphore_mem>>
      %dma_start3A_191 = tpu.memref_slice %arg3[%mul3A_2] : memref<16384xi32, #tpu.memory_space<hbm>> -> memref<512xi32, #tpu.memory_space<hbm>>
      %dma_start3A_192 = tpu.memref_slice %arg3[%mul3A_2] : memref<16384xi32, #tpu.memory_space<hbm>> -> memref<512xi32, #tpu.memory_space<hbm>>
      tpu.enqueue_dma source(%dma_start3A_192 : memref<512xi32, #tpu.memory_space<hbm>>) target(%arg10 : memref<512xi32, #tpu.memory_space<vmem>>) target_semaphore(%run_scoped3A : memref<!tpu.dma_semaphore, #tpu.memory_space<semaphore_mem>>)
      %dma_wait3A_193 = tpu.memref_slice %arg3[%mul3A_2] : memref<16384xi32, #tpu.memory_space<hbm>> -> memref<512xi32, #tpu.memory_space<hbm>>
      %dma_wait3A_194 = tpu.memref_slice %arg3[%mul3A_2] : memref<16384xi32, #tpu.memory_space<hbm>> -> memref<512xi32, #tpu.memory_space<hbm>>
      tpu.wait_dma2 semaphore(%run_scoped3A : memref<!tpu.dma_semaphore, #tpu.memory_space<semaphore_mem>>) src(%dma_wait3A_194 : memref<512xi32, #tpu.memory_space<hbm>>) dst(%arg10 : memref<512xi32, #tpu.memory_space<vmem>>)
      tpu.yield
    }) : () -> ()
    %broadcast_in_dim3A = arith.constant 1 : i32
    %broadcast_in_dim3A_3 = vector.broadcast %broadcast_in_dim3A : i32 to vector<16xi32>
    %broadcast_in_dim3A_4 = arith.constant 0 : i32
    %broadcast_in_dim3A_5 = vector.broadcast %broadcast_in_dim3A_4 : i32 to vector<16xi32>
    %parallel_loop3A = arith.constant 0 : i32
    %parallel_loop3A_6 = arith.constant 32 : i32
    %parallel_loop3A_7 = arith.constant 1 : i32
    scf.for %parallel_loop3A_191 = %parallel_loop3A to %parallel_loop3A_6 step %parallel_loop3A_7  : i32 {
      %parallel_loop3A_192 = arith.constant 16 : i32
      %parallel_loop3A_193 = arith.muli %parallel_loop3A_191, %parallel_loop3A_192 : i32
      %parallel_loop3A_194 = arith.index_cast %parallel_loop3A_193 : i32 to index
      %parallel_loop3A_195 = tpu.vector_load %arg10[%parallel_loop3A_194] {strides = array<i32>} : memref<512xi32, #tpu.memory_space<vmem>>, vector<16xi32>,
      %parallel_loop3A_196 = arith.constant 25088 : i32
      %parallel_loop3A_197 = vector.broadcast %parallel_loop3A_196 : i32 to vector<16xi32>
      %parallel_loop3A_198 = arith.cmpi sge, %parallel_loop3A_195, %parallel_loop3A_197 : vector<16xi32>
      %parallel_loop3A_199 = arith.select %parallel_loop3A_198, %broadcast_in_dim3A_3, %broadcast_in_dim3A_5 : vector<16xi1>, vector<16xi32>
      %parallel_loop3A_200 = arith.constant 50176 : i32
      %parallel_loop3A_201 = vector.broadcast %parallel_loop3A_200 : i32 to vector<16xi32>
      %parallel_loop3A_202 = arith.cmpi sge, %parallel_loop3A_195, %parallel_loop3A_201 : vector<16xi32>
      %parallel_loop3A_203 = arith.select %parallel_loop3A_202, %broadcast_in_dim3A_3, %broadcast_in_dim3A_5 : vector<16xi1>, vector<16xi32>
      %parallel_loop3A_204 = arith.addi %parallel_loop3A_199, %parallel_loop3A_203 : vector<16xi32>
      %parallel_loop3A_205 = arith.constant 75264 : i32
      %parallel_loop3A_206 = vector.broadcast %parallel_loop3A_205 : i32 to vector<16xi32>
      %parallel_loop3A_207 = arith.cmpi sge, %parallel_loop3A_195, %parallel_loop3A_206 : vector<16xi32>
      %parallel_loop3A_208 = arith.select %parallel_loop3A_207, %broadcast_in_dim3A_3, %broadcast_in_dim3A_5 : vector<16xi1>, vector<16xi32>
      %parallel_loop3A_209 = arith.addi %parallel_loop3A_204, %parallel_loop3A_208 : vector<16xi32>
      %parallel_loop3A_210 = arith.constant 25088 : i32
      %parallel_loop3A_211 = vector.broadcast %parallel_loop3A_210 : i32 to vector<16xi32>
      %parallel_loop3A_212 = arith.muli %parallel_loop3A_209, %parallel_loop3A_211 : vector<16xi32>
      %parallel_loop3A_213 = arith.subi %parallel_loop3A_195, %parallel_loop3A_212 : vector<16xi32>
      %parallel_loop3A_214 = arith.constant 4 : i32
      %parallel_loop3A_215 = vector.broadcast %parallel_loop3A_214 : i32 to vector<16xi32>
      %parallel_loop3A_216 = arith.muli %parallel_loop3A_213, %parallel_loop3A_215 : vector<16xi32>
      %parallel_loop3A_217 = arith.addi %parallel_loop3A_216, %parallel_loop3A_209 : vector<16xi32>
      %parallel_loop3A_218 = arith.constant 16 : i32
      %parallel_loop3A_219 = arith.muli %parallel_loop3A_191, %parallel_loop3A_218 : i32
      %parallel_loop3A_220 = arith.index_cast %parallel_loop3A_219 : i32 to index
      %parallel_loop3A_221 = tpu.vector_load %arg10[%parallel_loop3A_220] {strides = array<i32>} : memref<512xi32, #tpu.memory_space<vmem>>, vector<16xi32>,
      tpu.vector_store %arg10[%parallel_loop3A_220], %parallel_loop3A_217 {strides = array<i32>} : memref<512xi32, #tpu.memory_space<vmem>>, vector<16xi32>,
    } {sc.loop_unroll_factor = 4 : i64, sc.parallel_access}
    %dma_start3A = arith.constant 0 : i32
    %dma_start3A_8 = arith.constant 0 : i32
    %dma_start3A_9 = tpu.memref_slice %arg11[%dma_start3A, %dma_start3A_8] : memref<512x32xf32, #tpu.memory_space<vmem>> -> memref<128x32xf32, #tpu.memory_space<vmem>>
    %dma_start3A_10 = arith.constant 0 : i32
    %dma_start3A_11 = tpu.memref_slice %arg10[%dma_start3A_10] : memref<512xi32, #tpu.memory_space<vmem>> -> memref<128xi32, #tpu.memory_space<vmem>>
    %dma_start3A_12 = arith.constant 0 : i32
    %dma_start3A_13 = arith.constant 0 : i32
    %dma_start3A_14 = tpu.memref_slice %arg2[%dma_start3A_12, %dma_start3A_13] : memref<100352x32xf32, #tpu.memory_space<hbm>> -> memref<100352x32xf32, #tpu.memory_space<hbm>>
    tpu.enqueue_indirect_dma source(%dma_start3A_14 : memref<100352x32xf32, #tpu.memory_space<hbm>>) target(%dma_start3A_9 : memref<128x32xf32, #tpu.memory_space<vmem>>) offsets(%dma_start3A_11 : memref<128xi32, #tpu.memory_space<vmem>>) semaphore(%arg18 : memref<!tpu.dma_semaphore, #tpu.memory_space<semaphore_mem>>)
    %dma_start3A_15 = arith.constant 128 : i32
    %dma_start3A_16 = arith.constant 0 : i32
    %dma_start3A_17 = tpu.memref_slice %arg11[%dma_start3A_15, %dma_start3A_16] : memref<512x32xf32, #tpu.memory_space<vmem>> -> memref<128x32xf32, #tpu.memory_space<vmem>>
    %dma_start3A_18 = arith.constant 128 : i32
    %dma_start3A_19 = tpu.memref_slice %arg10[%dma_start3A_18] : memref<512xi32, #tpu.memory_space<vmem>> -> memref<128xi32, #tpu.memory_space<vmem>>
    %dma_start3A_20 = arith.constant 0 : i32
    %dma_start3A_21 = arith.constant 0 : i32
    %dma_start3A_22 = tpu.memref_slice %arg2[%dma_start3A_20, %dma_start3A_21] : memref<100352x32xf32, #tpu.memory_space<hbm>> -> memref<100352x32xf32, #tpu.memory_space<hbm>>
    tpu.enqueue_indirect_dma source(%dma_start3A_22 : memref<100352x32xf32, #tpu.memory_space<hbm>>) target(%dma_start3A_17 : memref<128x32xf32, #tpu.memory_space<vmem>>) offsets(%dma_start3A_19 : memref<128xi32, #tpu.memory_space<vmem>>) semaphore(%arg18 : memref<!tpu.dma_semaphore, #tpu.memory_space<semaphore_mem>>)
    %dma_start3A_23 = arith.constant 256 : i32
    %dma_start3A_24 = arith.constant 0 : i32
    %dma_start3A_25 = tpu.memref_slice %arg11[%dma_start3A_23, %dma_start3A_24] : memref<512x32xf32, #tpu.memory_space<vmem>> -> memref<128x32xf32, #tpu.memory_space<vmem>>
    %dma_start3A_26 = arith.constant 256 : i32
    %dma_start3A_27 = tpu.memref_slice %arg10[%dma_start3A_26] : memref<512xi32, #tpu.memory_space<vmem>> -> memref<128xi32, #tpu.memory_space<vmem>>
    %dma_start3A_28 = arith.constant 0 : i32
    %dma_start3A_29 = arith.constant 0 : i32
    %dma_start3A_30 = tpu.memref_slice %arg2[%dma_start3A_28, %dma_start3A_29] : memref<100352x32xf32, #tpu.memory_space<hbm>> -> memref<100352x32xf32, #tpu.memory_space<hbm>>
    tpu.enqueue_indirect_dma source(%dma_start3A_30 : memref<100352x32xf32, #tpu.memory_space<hbm>>) target(%dma_start3A_25 : memref<128x32xf32, #tpu.memory_space<vmem>>) offsets(%dma_start3A_27 : memref<128xi32, #tpu.memory_space<vmem>>) semaphore(%arg18 : memref<!tpu.dma_semaphore, #tpu.memory_space<semaphore_mem>>)
    %dma_start3A_31 = arith.constant 384 : i32
    %dma_start3A_32 = arith.constant 0 : i32
    %dma_start3A_33 = tpu.memref_slice %arg11[%dma_start3A_31, %dma_start3A_32] : memref<512x32xf32, #tpu.memory_space<vmem>> -> memref<128x32xf32, #tpu.memory_space<vmem>>
    %dma_start3A_34 = arith.constant 384 : i32
    %dma_start3A_35 = tpu.memref_slice %arg10[%dma_start3A_34] : memref<512xi32, #tpu.memory_space<vmem>> -> memref<128xi32, #tpu.memory_space<vmem>>
    %dma_start3A_36 = arith.constant 0 : i32
    %dma_start3A_37 = arith.constant 0 : i32
    %dma_start3A_38 = tpu.memref_slice %arg2[%dma_start3A_36, %dma_start3A_37] : memref<100352x32xf32, #tpu.memory_space<hbm>> -> memref<100352x32xf32, #tpu.memory_space<hbm>>
    tpu.enqueue_indirect_dma source(%dma_start3A_38 : memref<100352x32xf32, #tpu.memory_space<hbm>>) target(%dma_start3A_33 : memref<128x32xf32, #tpu.memory_space<vmem>>) offsets(%dma_start3A_35 : memref<128xi32, #tpu.memory_space<vmem>>) semaphore(%arg18 : memref<!tpu.dma_semaphore, #tpu.memory_space<semaphore_mem>>)
    %mul3A_39 = arith.constant 4 : i32
    %mul3A_40 = arith.muli %add3A, %mul3A_39 : i32
    "tpu.region"() ({
      %run_scoped3A = tpu.sem_alloc : memref<!tpu.dma_semaphore, #tpu.memory_space<semaphore_mem>>
      %dma_start3A_191 = arith.constant 0 : i32
      %dma_start3A_192 = arith.constant 0 : i32
      %dma_start3A_193 = tpu.memref_slice %arg8[%mul3A_40, %dma_start3A_191, %dma_start3A_192] : memref<128x8x128xi32, #tpu.memory_space<hbm>> -> memref<4x8x128xi32, #tpu.memory_space<hbm>>
      %dma_start3A_194 = arith.constant 0 : i32
      %dma_start3A_195 = arith.constant 0 : i32
      %dma_start3A_196 = tpu.memref_slice %arg8[%mul3A_40, %dma_start3A_194, %dma_start3A_195] : memref<128x8x128xi32, #tpu.memory_space<hbm>> -> memref<4x8x128xi32, #tpu.memory_space<hbm>>
      tpu.enqueue_dma source(%dma_start3A_196 : memref<4x8x128xi32, #tpu.memory_space<hbm>>) target(%arg12 : memref<4x8x128xi32, #tpu.memory_space<vmem>>) target_semaphore(%run_scoped3A : memref<!tpu.dma_semaphore, #tpu.memory_space<semaphore_mem>>)
      %dma_wait3A_197 = arith.constant 0 : i32
      %dma_wait3A_198 = arith.constant 0 : i32
      %dma_wait3A_199 = tpu.memref_slice %arg8[%mul3A_40, %dma_wait3A_197, %dma_wait3A_198] : memref<128x8x128xi32, #tpu.memory_space<hbm>> -> memref<4x8x128xi32, #tpu.memory_space<hbm>>
      %dma_wait3A_200 = arith.constant 0 : i32
      %dma_wait3A_201 = arith.constant 0 : i32
      %dma_wait3A_202 = tpu.memref_slice %arg8[%mul3A_40, %dma_wait3A_200, %dma_wait3A_201] : memref<128x8x128xi32, #tpu.memory_space<hbm>> -> memref<4x8x128xi32, #tpu.memory_space<hbm>>
      tpu.wait_dma2 semaphore(%run_scoped3A : memref<!tpu.dma_semaphore, #tpu.memory_space<semaphore_mem>>) src(%dma_wait3A_202 : memref<4x8x128xi32, #tpu.memory_space<hbm>>) dst(%arg12 : memref<4x8x128xi32, #tpu.memory_space<vmem>>)
      tpu.yield
    }) : () -> ()
    "tpu.region"() ({
      %run_scoped3A = tpu.sem_alloc : memref<!tpu.dma_semaphore, #tpu.memory_space<semaphore_mem>>
      %dma_start3A_191 = tpu.memref_slice %arg4[%mul3A_2] : memref<16384xf32, #tpu.memory_space<hbm>> -> memref<512xf32, #tpu.memory_space<hbm>>
      %dma_start3A_192 = tpu.memref_slice %arg4[%mul3A_2] : memref<16384xf32, #tpu.memory_space<hbm>> -> memref<512xf32, #tpu.memory_space<hbm>>
      tpu.enqueue_dma source(%dma_start3A_192 : memref<512xf32, #tpu.memory_space<hbm>>) target(%arg13 : memref<512xf32, #tpu.memory_space<vmem>>) target_semaphore(%run_scoped3A : memref<!tpu.dma_semaphore, #tpu.memory_space<semaphore_mem>>)
      %dma_wait3A_193 = tpu.memref_slice %arg4[%mul3A_2] : memref<16384xf32, #tpu.memory_space<hbm>> -> memref<512xf32, #tpu.memory_space<hbm>>
      %dma_wait3A_194 = tpu.memref_slice %arg4[%mul3A_2] : memref<16384xf32, #tpu.memory_space<hbm>> -> memref<512xf32, #tpu.memory_space<hbm>>
      tpu.wait_dma2 semaphore(%run_scoped3A : memref<!tpu.dma_semaphore, #tpu.memory_space<semaphore_mem>>) src(%dma_wait3A_194 : memref<512xf32, #tpu.memory_space<hbm>>) dst(%arg13 : memref<512xf32, #tpu.memory_space<vmem>>)
      tpu.yield
    }) : () -> ()
    "tpu.region"() ({
      %run_scoped3A = tpu.sem_alloc : memref<!tpu.dma_semaphore, #tpu.memory_space<semaphore_mem>>
      %dma_start3A_191 = tpu.memref_slice %arg5[%mul3A_2] : memref<16384xf32, #tpu.memory_space<hbm>> -> memref<512xf32, #tpu.memory_space<hbm>>
      %dma_start3A_192 = tpu.memref_slice %arg5[%mul3A_2] : memref<16384xf32, #tpu.memory_space<hbm>> -> memref<512xf32, #tpu.memory_space<hbm>>
      tpu.enqueue_dma source(%dma_start3A_192 : memref<512xf32, #tpu.memory_space<hbm>>) target(%arg14 : memref<512xf32, #tpu.memory_space<vmem>>) target_semaphore(%run_scoped3A : memref<!tpu.dma_semaphore, #tpu.memory_space<semaphore_mem>>)
      %dma_wait3A_193 = tpu.memref_slice %arg5[%mul3A_2] : memref<16384xf32, #tpu.memory_space<hbm>> -> memref<512xf32, #tpu.memory_space<hbm>>
      %dma_wait3A_194 = tpu.memref_slice %arg5[%mul3A_2] : memref<16384xf32, #tpu.memory_space<hbm>> -> memref<512xf32, #tpu.memory_space<hbm>>
      tpu.wait_dma2 semaphore(%run_scoped3A : memref<!tpu.dma_semaphore, #tpu.memory_space<semaphore_mem>>) src(%dma_wait3A_194 : memref<512xf32, #tpu.memory_space<hbm>>) dst(%arg14 : memref<512xf32, #tpu.memory_space<vmem>>)
      tpu.yield
    }) : () -> ()
    "tpu.region"() ({
      %run_scoped3A = tpu.sem_alloc : memref<!tpu.dma_semaphore, #tpu.memory_space<semaphore_mem>>
      %dma_start3A_191 = tpu.memref_slice %arg6[%mul3A_2] : memref<16384xf32, #tpu.memory_space<hbm>> -> memref<512xf32, #tpu.memory_space<hbm>>
      %dma_start3A_192 = tpu.memref_slice %arg6[%mul3A_2] : memref<16384xf32, #tpu.memory_space<hbm>> -> memref<512xf32, #tpu.memory_space<hbm>>
      tpu.enqueue_dma source(%dma_start3A_192 : memref<512xf32, #tpu.memory_space<hbm>>) target(%arg15 : memref<512xf32, #tpu.memory_space<vmem>>) target_semaphore(%run_scoped3A : memref<!tpu.dma_semaphore, #tpu.memory_space<semaphore_mem>>)
      %dma_wait3A_193 = tpu.memref_slice %arg6[%mul3A_2] : memref<16384xf32, #tpu.memory_space<hbm>> -> memref<512xf32, #tpu.memory_space<hbm>>
      %dma_wait3A_194 = tpu.memref_slice %arg6[%mul3A_2] : memref<16384xf32, #tpu.memory_space<hbm>> -> memref<512xf32, #tpu.memory_space<hbm>>
      tpu.wait_dma2 semaphore(%run_scoped3A : memref<!tpu.dma_semaphore, #tpu.memory_space<semaphore_mem>>) src(%dma_wait3A_194 : memref<512xf32, #tpu.memory_space<hbm>>) dst(%arg15 : memref<512xf32, #tpu.memory_space<vmem>>)
      tpu.yield
    }) : () -> ()
    "tpu.region"() ({
      %run_scoped3A = tpu.sem_alloc : memref<!tpu.dma_semaphore, #tpu.memory_space<semaphore_mem>>
      %dma_start3A_191 = tpu.memref_slice %arg7[%mul3A_2] : memref<16384xf32, #tpu.memory_space<hbm>> -> memref<512xf32, #tpu.memory_space<hbm>>
      %dma_start3A_192 = tpu.memref_slice %arg7[%mul3A_2] : memref<16384xf32, #tpu.memory_space<hbm>> -> memref<512xf32, #tpu.memory_space<hbm>>
      tpu.enqueue_dma source(%dma_start3A_192 : memref<512xf32, #tpu.memory_space<hbm>>) target(%arg16 : memref<512xf32, #tpu.memory_space<vmem>>) target_semaphore(%run_scoped3A : memref<!tpu.dma_semaphore, #tpu.memory_space<semaphore_mem>>)
      %dma_wait3A_193 = tpu.memref_slice %arg7[%mul3A_2] : memref<16384xf32, #tpu.memory_space<hbm>> -> memref<512xf32, #tpu.memory_space<hbm>>
      %dma_wait3A_194 = tpu.memref_slice %arg7[%mul3A_2] : memref<16384xf32, #tpu.memory_space<hbm>> -> memref<512xf32, #tpu.memory_space<hbm>>
      tpu.wait_dma2 semaphore(%run_scoped3A : memref<!tpu.dma_semaphore, #tpu.memory_space<semaphore_mem>>) src(%dma_wait3A_194 : memref<512xf32, #tpu.memory_space<hbm>>) dst(%arg16 : memref<512xf32, #tpu.memory_space<vmem>>)
      tpu.yield
    }) : () -> ()
    %iota3A = tpu.iota {dimensions = array<i32: 0>} : vector<16xi32>
    %broadcast_in_dim3A_41 = arith.constant 0.000000e+00 : f32
    %broadcast_in_dim3A_42 = vector.broadcast %broadcast_in_dim3A_41 : f32 to vector<16xf32>
    %broadcast_in_dim3A_43 = arith.constant 1.000000e+00 : f32
    %broadcast_in_dim3A_44 = vector.broadcast %broadcast_in_dim3A_43 : f32 to vector<16xf32>
    %mul3A_45 = arith.constant 128 : i32
    %mul3A_46 = vector.broadcast %mul3A_45 : i32 to vector<16xi32>
    %mul3A_47 = arith.muli %iota3A, %mul3A_46 : vector<16xi32>
    %parallel_loop3A_48 = arith.constant 0 : i32
    %parallel_loop3A_49 = arith.constant 128 : i32
    %parallel_loop3A_50 = arith.constant 1 : i32
    scf.for %parallel_loop3A_191 = %parallel_loop3A_48 to %parallel_loop3A_49 step %parallel_loop3A_50  : i32 {
      %parallel_loop3A_192 = arith.constant 0 : i32
      %parallel_loop3A_193 = arith.addi %parallel_loop3A_192, %parallel_loop3A_191 : i32
      %parallel_loop3A_194 = arith.constant 128 : i32
      %parallel_loop3A_195 = arith.muli %parallel_loop3A_193, %parallel_loop3A_194 : i32
      %parallel_loop3A_196 = arith.constant 36 : i32
      %parallel_loop3A_197 = arith.addi %parallel_loop3A_195, %parallel_loop3A_196 : i32
      %parallel_loop3A_198 = arith.index_cast %parallel_loop3A_197 : i32 to index
      %parallel_loop3A_199 = tpu.vector_load %arg17[%parallel_loop3A_198] {strides = array<i32>} : memref<65536xf32, #tpu.memory_space<vmem>>, vector<16xf32>,
      tpu.vector_store %arg17[%parallel_loop3A_198], %broadcast_in_dim3A_42 {strides = array<i32>} : memref<65536xf32, #tpu.memory_space<vmem>>, vector<16xf32>,
      %parallel_loop3A_200 = arith.constant 52 : i32
      %parallel_loop3A_201 = arith.addi %parallel_loop3A_195, %parallel_loop3A_200 : i32
      %parallel_loop3A_202 = arith.index_cast %parallel_loop3A_201 : i32 to index
      %parallel_loop3A_203 = tpu.vector_load %arg17[%parallel_loop3A_202] {strides = array<i32>} : memref<65536xf32, #tpu.memory_space<vmem>>, vector<16xf32>,
      tpu.vector_store %arg17[%parallel_loop3A_202], %broadcast_in_dim3A_42 {strides = array<i32>} : memref<65536xf32, #tpu.memory_space<vmem>>, vector<16xf32>,
      %parallel_loop3A_204 = arith.constant 68 : i32
      %parallel_loop3A_205 = arith.addi %parallel_loop3A_195, %parallel_loop3A_204 : i32
      %parallel_loop3A_206 = arith.index_cast %parallel_loop3A_205 : i32 to index
      %parallel_loop3A_207 = tpu.vector_load %arg17[%parallel_loop3A_206] {strides = array<i32>} : memref<65536xf32, #tpu.memory_space<vmem>>, vector<16xf32>,
      tpu.vector_store %arg17[%parallel_loop3A_206], %broadcast_in_dim3A_42 {strides = array<i32>} : memref<65536xf32, #tpu.memory_space<vmem>>, vector<16xf32>,
      %parallel_loop3A_208 = arith.constant 84 : i32
      %parallel_loop3A_209 = arith.addi %parallel_loop3A_195, %parallel_loop3A_208 : i32
      %parallel_loop3A_210 = arith.index_cast %parallel_loop3A_209 : i32 to index
      %parallel_loop3A_211 = tpu.vector_load %arg17[%parallel_loop3A_210] {strides = array<i32>} : memref<65536xf32, #tpu.memory_space<vmem>>, vector<16xf32>,
      tpu.vector_store %arg17[%parallel_loop3A_210], %broadcast_in_dim3A_42 {strides = array<i32>} : memref<65536xf32, #tpu.memory_space<vmem>>, vector<16xf32>,
      %parallel_loop3A_212 = arith.constant 85 : i32
      %parallel_loop3A_213 = arith.addi %parallel_loop3A_195, %parallel_loop3A_212 : i32
      %parallel_loop3A_214 = arith.index_cast %parallel_loop3A_213 : i32 to index
      %parallel_loop3A_215 = tpu.vector_load %arg17[%parallel_loop3A_214] {strides = array<i32>} : memref<65536xf32, #tpu.memory_space<vmem>>, vector<16xf32>,
      tpu.vector_store %arg17[%parallel_loop3A_214], %broadcast_in_dim3A_42 {strides = array<i32>} : memref<65536xf32, #tpu.memory_space<vmem>>, vector<16xf32>,
    } {sc.loop_unroll_factor = 8 : i64, sc.parallel_access}
    %parallel_loop3A_51 = arith.constant 0 : i32
    %parallel_loop3A_52 = arith.constant 64 : i32
    %parallel_loop3A_53 = arith.constant 1 : i32
    scf.for %parallel_loop3A_191 = %parallel_loop3A_51 to %parallel_loop3A_52 step %parallel_loop3A_53  : i32 {
      %parallel_loop3A_192 = arith.constant 3 : i32
      %parallel_loop3A_193 = arith.shrui %parallel_loop3A_191, %parallel_loop3A_192 : i32
      %parallel_loop3A_194 = arith.constant 7 : i32
      %parallel_loop3A_195 = arith.andi %parallel_loop3A_191, %parallel_loop3A_194 : i32
      %parallel_loop3A_196 = arith.constant 16 : i32
      %parallel_loop3A_197 = arith.muli %parallel_loop3A_195, %parallel_loop3A_196 : i32
      %parallel_loop3A_198 = arith.constant 0 : i32
      %parallel_loop3A_199 = arith.index_cast %parallel_loop3A_198 : i32 to index
      %parallel_loop3A_200 = arith.index_cast %parallel_loop3A_193 : i32 to index
      %parallel_loop3A_201 = arith.index_cast %parallel_loop3A_197 : i32 to index
      %parallel_loop3A_202 = tpu.vector_load %arg12[%parallel_loop3A_199, %parallel_loop3A_200, %parallel_loop3A_201] {strides = array<i32>} : memref<4x8x128xi32, #tpu.memory_space<vmem>>, vector<16xi32>,
      %parallel_loop3A_203 = arith.constant 16 : i32
      %parallel_loop3A_204 = arith.muli %parallel_loop3A_195, %parallel_loop3A_203 : i32
      %parallel_loop3A_205 = arith.constant 0 : i32
      %parallel_loop3A_206 = arith.addi %parallel_loop3A_205, %parallel_loop3A_204 : i32
      %parallel_loop3A_207 = arith.constant 128 : i32
      %parallel_loop3A_208 = arith.muli %parallel_loop3A_206, %parallel_loop3A_207 : i32
      %parallel_loop3A_209 = vector.broadcast %parallel_loop3A_208 : i32 to vector<16xi32>
      %parallel_loop3A_210 = arith.addi %parallel_loop3A_209, %mul3A_47 : vector<16xi32>
      %parallel_loop3A_211 = arith.constant 36 : i32
      %parallel_loop3A_212 = vector.broadcast %parallel_loop3A_211 : i32 to vector<16xi32>
      %parallel_loop3A_213 = arith.addi %parallel_loop3A_210, %parallel_loop3A_212 : vector<16xi32>
      %parallel_loop3A_214 = arith.addi %parallel_loop3A_213, %parallel_loop3A_202 : vector<16xi32>
      tpu.vector_store_idx %arg17[%parallel_loop3A_214], %broadcast_in_dim3A_44 : memref<65536xf32, #tpu.memory_space<vmem>>[vector<16xi32>], vector<16xf32>,
    } {sc.loop_unroll_factor = 8 : i64, sc.parallel_access}
    %parallel_loop3A_54 = arith.constant 0 : i32
    %parallel_loop3A_55 = arith.constant 8 : i32
    %parallel_loop3A_56 = arith.constant 1 : i32
    scf.for %parallel_loop3A_191 = %parallel_loop3A_54 to %parallel_loop3A_55 step %parallel_loop3A_56  : i32 {
      %parallel_loop3A_192 = arith.constant 16 : i32
      %parallel_loop3A_193 = arith.muli %parallel_loop3A_191, %parallel_loop3A_192 : i32
      %parallel_loop3A_194 = arith.constant 0 : i32
      %parallel_loop3A_195 = arith.addi %parallel_loop3A_194, %parallel_loop3A_193 : i32
      %parallel_loop3A_196 = arith.constant 128 : i32
      %parallel_loop3A_197 = arith.muli %parallel_loop3A_195, %parallel_loop3A_196 : i32
      %parallel_loop3A_198 = vector.broadcast %parallel_loop3A_197 : i32 to vector<16xi32>
      %parallel_loop3A_199 = arith.addi %parallel_loop3A_198, %mul3A_47 : vector<16xi32>
      %parallel_loop3A_200 = arith.constant 32 : i32
      %parallel_loop3A_201 = vector.broadcast %parallel_loop3A_200 : i32 to vector<16xi32>
      %parallel_loop3A_202 = arith.addi %parallel_loop3A_199, %parallel_loop3A_201 : vector<16xi32>
      %parallel_loop3A_203 = arith.index_cast %parallel_loop3A_195 : i32 to index
      %parallel_loop3A_204 = tpu.vector_load %arg13[%parallel_loop3A_203] {strides = array<i32>} : memref<512xf32, #tpu.memory_space<vmem>>, vector<16xf32>,
      %parallel_loop3A_205 = arith.constant 4.500000e+01 : f32
      %parallel_loop3A_206 = vector.broadcast %parallel_loop3A_205 : f32 to vector<16xf32>
      %parallel_loop3A_207 = arith.subf %parallel_loop3A_204, %parallel_loop3A_206 : vector<16xf32>
      %parallel_loop3A_208 = arith.constant 2.000000e+01 : f32
      %parallel_loop3A_209 = vector.broadcast %parallel_loop3A_208 : f32 to vector<16xf32>
      %parallel_loop3A_210 = arith.divf %parallel_loop3A_207, %parallel_loop3A_209 : vector<16xf32>
      tpu.vector_store_idx %arg17[%parallel_loop3A_202], %parallel_loop3A_210 : memref<65536xf32, #tpu.memory_space<vmem>>[vector<16xi32>], vector<16xf32>,
      %parallel_loop3A_211 = arith.constant 1 : i32
      %parallel_loop3A_212 = vector.broadcast %parallel_loop3A_211 : i32 to vector<16xi32>
      %parallel_loop3A_213 = arith.addi %parallel_loop3A_202, %parallel_loop3A_212 : vector<16xi32>
      %parallel_loop3A_214 = arith.index_cast %parallel_loop3A_195 : i32 to index
      %parallel_loop3A_215 = tpu.vector_load %arg14[%parallel_loop3A_214] {strides = array<i32>} : memref<512xf32, #tpu.memory_space<vmem>>, vector<16xf32>,
      tpu.vector_store_idx %arg17[%parallel_loop3A_213], %parallel_loop3A_215 : memref<65536xf32, #tpu.memory_space<vmem>>[vector<16xi32>], vector<16xf32>,
      %parallel_loop3A_216 = arith.constant 2 : i32
      %parallel_loop3A_217 = vector.broadcast %parallel_loop3A_216 : i32 to vector<16xi32>
      %parallel_loop3A_218 = arith.addi %parallel_loop3A_202, %parallel_loop3A_217 : vector<16xi32>
      %parallel_loop3A_219 = arith.index_cast %parallel_loop3A_195 : i32 to index
      %parallel_loop3A_220 = tpu.vector_load %arg15[%parallel_loop3A_219] {strides = array<i32>} : memref<512xf32, #tpu.memory_space<vmem>>, vector<16xf32>,
      tpu.vector_store_idx %arg17[%parallel_loop3A_218], %parallel_loop3A_220 : memref<65536xf32, #tpu.memory_space<vmem>>[vector<16xi32>], vector<16xf32>,
      %parallel_loop3A_221 = arith.constant 3 : i32
      %parallel_loop3A_222 = vector.broadcast %parallel_loop3A_221 : i32 to vector<16xi32>
      %parallel_loop3A_223 = arith.addi %parallel_loop3A_202, %parallel_loop3A_222 : vector<16xi32>
      %parallel_loop3A_224 = arith.index_cast %parallel_loop3A_195 : i32 to index
      %parallel_loop3A_225 = tpu.vector_load %arg16[%parallel_loop3A_224] {strides = array<i32>} : memref<512xf32, #tpu.memory_space<vmem>>, vector<16xf32>,
      tpu.vector_store_idx %arg17[%parallel_loop3A_223], %parallel_loop3A_225 : memref<65536xf32, #tpu.memory_space<vmem>>[vector<16xi32>], vector<16xf32>,
    } {sc.loop_unroll_factor = 4 : i64, sc.parallel_access}
    %dma_wait3A = arith.constant 0 : i32
    %dma_wait3A_57 = arith.constant 0 : i32
    %dma_wait3A_58 = tpu.memref_slice %arg11[%dma_wait3A, %dma_wait3A_57] : memref<512x32xf32, #tpu.memory_space<vmem>> -> memref<128x32xf32, #tpu.memory_space<vmem>>
    %dma_wait3A_59 = arith.constant 0 : i32
    %dma_wait3A_60 = tpu.memref_slice %arg10[%dma_wait3A_59] : memref<512xi32, #tpu.memory_space<vmem>> -> memref<128xi32, #tpu.memory_space<vmem>>
    %dma_wait3A_61 = arith.constant 0 : i32
    %dma_wait3A_62 = arith.constant 0 : i32
    %dma_wait3A_63 = tpu.memref_slice %arg2[%dma_wait3A_61, %dma_wait3A_62] : memref<100352x32xf32, #tpu.memory_space<hbm>> -> memref<100352x32xf32, #tpu.memory_space<hbm>>
    tpu.wait_indirect_dma semaphore(%arg18 : memref<!tpu.dma_semaphore, #tpu.memory_space<semaphore_mem>>) src(%dma_wait3A_63 : memref<100352x32xf32, #tpu.memory_space<hbm>>) dst(%dma_wait3A_58 : memref<128x32xf32, #tpu.memory_space<vmem>>)
    %parallel_loop3A_64 = arith.constant 0 : i32
    %parallel_loop3A_65 = arith.constant 128 : i32
    %parallel_loop3A_66 = arith.constant 1 : i32
    scf.for %parallel_loop3A_191 = %parallel_loop3A_64 to %parallel_loop3A_65 step %parallel_loop3A_66  : i32 {
      %parallel_loop3A_192 = arith.constant 0 : i32
      %parallel_loop3A_193 = arith.addi %parallel_loop3A_192, %parallel_loop3A_191 : i32
      %parallel_loop3A_194 = arith.constant 128 : i32
      %parallel_loop3A_195 = arith.muli %parallel_loop3A_193, %parallel_loop3A_194 : i32
      %parallel_loop3A_196 = arith.constant 0 : i32
      %parallel_loop3A_197 = arith.addi %parallel_loop3A_196, %parallel_loop3A_191 : i32
      %parallel_loop3A_198 = arith.index_cast %parallel_loop3A_197 : i32 to index
      %parallel_loop3A_199 = arith.constant 0 : index
      %parallel_loop3A_200 = tpu.vector_load %arg11[%parallel_loop3A_198, %parallel_loop3A_199] {strides = array<i32>} : memref<512x32xf32, #tpu.memory_space<vmem>>, vector<16xf32>,
      %parallel_loop3A_201 = arith.index_cast %parallel_loop3A_195 : i32 to index
      %parallel_loop3A_202 = tpu.vector_load %arg17[%parallel_loop3A_201] {strides = array<i32>} : memref<65536xf32, #tpu.memory_space<vmem>>, vector<16xf32>,
      tpu.vector_store %arg17[%parallel_loop3A_201], %parallel_loop3A_200 {strides = array<i32>} : memref<65536xf32, #tpu.memory_space<vmem>>, vector<16xf32>,
      %parallel_loop3A_203 = arith.constant 0 : i32
      %parallel_loop3A_204 = arith.addi %parallel_loop3A_203, %parallel_loop3A_191 : i32
      %parallel_loop3A_205 = arith.index_cast %parallel_loop3A_204 : i32 to index
      %parallel_loop3A_206 = arith.constant 16 : index
      %parallel_loop3A_207 = tpu.vector_load %arg11[%parallel_loop3A_205, %parallel_loop3A_206] {strides = array<i32>} : memref<512x32xf32, #tpu.memory_space<vmem>>, vector<16xf32>,
      %parallel_loop3A_208 = arith.constant 16 : i32
      %parallel_loop3A_209 = arith.addi %parallel_loop3A_195, %parallel_loop3A_208 : i32
      %parallel_loop3A_210 = arith.index_cast %parallel_loop3A_209 : i32 to index
      %parallel_loop3A_211 = tpu.vector_load %arg17[%parallel_loop3A_210] {strides = array<i32>} : memref<65536xf32, #tpu.memory_space<vmem>>, vector<16xf32>,
      tpu.vector_store %arg17[%parallel_loop3A_210], %parallel_loop3A_207 {strides = array<i32>} : memref<65536xf32, #tpu.memory_space<vmem>>, vector<16xf32>,
    } {sc.loop_unroll_factor = 8 : i64, sc.parallel_access}
    %add3A_67 = arith.constant 0 : i32
    %add3A_68 = arith.addi %mul3A_2, %add3A_67 : i32
    %mul3A_69 = arith.constant 128 : i32
    %mul3A_70 = arith.muli %add3A_68, %mul3A_69 : i32
    %dma_start3A_71 = arith.constant 0 : i32
    %dma_start3A_72 = tpu.memref_slice %arg17[%dma_start3A_71] : memref<65536xf32, #tpu.memory_space<vmem>> -> memref<16384xf32, #tpu.memory_space<vmem>>
    %dma_start3A_73 = tpu.memref_slice %arg9[%mul3A_70] : memref<2097152xf32, #tpu.memory_space<hbm>> -> memref<16384xf32, #tpu.memory_space<hbm>>
    %dma_start3A_74 = tpu.memref_slice %arg9[%mul3A_70] : memref<2097152xf32, #tpu.memory_space<hbm>> -> memref<16384xf32, #tpu.memory_space<hbm>>
    %dma_start3A_75 = arith.constant 0 : i32
    %dma_start3A_76 = tpu.memref_slice %arg17[%dma_start3A_75] : memref<65536xf32, #tpu.memory_space<vmem>> -> memref<16384xf32, #tpu.memory_space<vmem>>
    tpu.enqueue_dma source(%dma_start3A_76 : memref<16384xf32, #tpu.memory_space<vmem>>) target(%dma_start3A_74 : memref<16384xf32, #tpu.memory_space<hbm>>) target_semaphore(%arg19 : memref<!tpu.dma_semaphore, #tpu.memory_space<semaphore_mem>>)
    %parallel_loop3A_77 = arith.constant 0 : i32
    %parallel_loop3A_78 = arith.constant 128 : i32
    %parallel_loop3A_79 = arith.constant 1 : i32
    scf.for %parallel_loop3A_191 = %parallel_loop3A_77 to %parallel_loop3A_78 step %parallel_loop3A_79  : i32 {
      %parallel_loop3A_192 = arith.constant 128 : i32
      %parallel_loop3A_193 = arith.addi %parallel_loop3A_192, %parallel_loop3A_191 : i32
      %parallel_loop3A_194 = arith.constant 128 : i32
      %parallel_loop3A_195 = arith.muli %parallel_loop3A_193, %parallel_loop3A_194 : i32
      %parallel_loop3A_196 = arith.constant 36 : i32
      %parallel_loop3A_197 = arith.addi %parallel_loop3A_195, %parallel_loop3A_196 : i32
      %parallel_loop3A_198 = arith.index_cast %parallel_loop3A_197 : i32 to index
      %parallel_loop3A_199 = tpu.vector_load %arg17[%parallel_loop3A_198] {strides = array<i32>} : memref<65536xf32, #tpu.memory_space<vmem>>, vector<16xf32>,
      tpu.vector_store %arg17[%parallel_loop3A_198], %broadcast_in_dim3A_42 {strides = array<i32>} : memref<65536xf32, #tpu.memory_space<vmem>>, vector<16xf32>,
      %parallel_loop3A_200 = arith.constant 52 : i32
      %parallel_loop3A_201 = arith.addi %parallel_loop3A_195, %parallel_loop3A_200 : i32
      %parallel_loop3A_202 = arith.index_cast %parallel_loop3A_201 : i32 to index
      %parallel_loop3A_203 = tpu.vector_load %arg17[%parallel_loop3A_202] {strides = array<i32>} : memref<65536xf32, #tpu.memory_space<vmem>>, vector<16xf32>,
      tpu.vector_store %arg17[%parallel_loop3A_202], %broadcast_in_dim3A_42 {strides = array<i32>} : memref<65536xf32, #tpu.memory_space<vmem>>, vector<16xf32>,
      %parallel_loop3A_204 = arith.constant 68 : i32
      %parallel_loop3A_205 = arith.addi %parallel_loop3A_195, %parallel_loop3A_204 : i32
      %parallel_loop3A_206 = arith.index_cast %parallel_loop3A_205 : i32 to index
      %parallel_loop3A_207 = tpu.vector_load %arg17[%parallel_loop3A_206] {strides = array<i32>} : memref<65536xf32, #tpu.memory_space<vmem>>, vector<16xf32>,
      tpu.vector_store %arg17[%parallel_loop3A_206], %broadcast_in_dim3A_42 {strides = array<i32>} : memref<65536xf32, #tpu.memory_space<vmem>>, vector<16xf32>,
      %parallel_loop3A_208 = arith.constant 84 : i32
      %parallel_loop3A_209 = arith.addi %parallel_loop3A_195, %parallel_loop3A_208 : i32
      %parallel_loop3A_210 = arith.index_cast %parallel_loop3A_209 : i32 to index
      %parallel_loop3A_211 = tpu.vector_load %arg17[%parallel_loop3A_210] {strides = array<i32>} : memref<65536xf32, #tpu.memory_space<vmem>>, vector<16xf32>,
      tpu.vector_store %arg17[%parallel_loop3A_210], %broadcast_in_dim3A_42 {strides = array<i32>} : memref<65536xf32, #tpu.memory_space<vmem>>, vector<16xf32>,
      %parallel_loop3A_212 = arith.constant 85 : i32
      %parallel_loop3A_213 = arith.addi %parallel_loop3A_195, %parallel_loop3A_212 : i32
      %parallel_loop3A_214 = arith.index_cast %parallel_loop3A_213 : i32 to index
      %parallel_loop3A_215 = tpu.vector_load %arg17[%parallel_loop3A_214] {strides = array<i32>} : memref<65536xf32, #tpu.memory_space<vmem>>, vector<16xf32>,
      tpu.vector_store %arg17[%parallel_loop3A_214], %broadcast_in_dim3A_42 {strides = array<i32>} : memref<65536xf32, #tpu.memory_space<vmem>>, vector<16xf32>,
    } {sc.loop_unroll_factor = 8 : i64, sc.parallel_access}
    %parallel_loop3A_80 = arith.constant 0 : i32
    %parallel_loop3A_81 = arith.constant 64 : i32
    %parallel_loop3A_82 = arith.constant 1 : i32
    scf.for %parallel_loop3A_191 = %parallel_loop3A_80 to %parallel_loop3A_81 step %parallel_loop3A_82  : i32 {
      %parallel_loop3A_192 = arith.constant 3 : i32
      %parallel_loop3A_193 = arith.shrui %parallel_loop3A_191, %parallel_loop3A_192 : i32
      %parallel_loop3A_194 = arith.constant 7 : i32
      %parallel_loop3A_195 = arith.andi %parallel_loop3A_191, %parallel_loop3A_194 : i32
      %parallel_loop3A_196 = arith.constant 16 : i32
      %parallel_loop3A_197 = arith.muli %parallel_loop3A_195, %parallel_loop3A_196 : i32
      %parallel_loop3A_198 = arith.constant 1 : i32
      %parallel_loop3A_199 = arith.index_cast %parallel_loop3A_198 : i32 to index
      %parallel_loop3A_200 = arith.index_cast %parallel_loop3A_193 : i32 to index
      %parallel_loop3A_201 = arith.index_cast %parallel_loop3A_197 : i32 to index
      %parallel_loop3A_202 = tpu.vector_load %arg12[%parallel_loop3A_199, %parallel_loop3A_200, %parallel_loop3A_201] {strides = array<i32>} : memref<4x8x128xi32, #tpu.memory_space<vmem>>, vector<16xi32>,
      %parallel_loop3A_203 = arith.constant 16 : i32
      %parallel_loop3A_204 = arith.muli %parallel_loop3A_195, %parallel_loop3A_203 : i32
      %parallel_loop3A_205 = arith.constant 128 : i32
      %parallel_loop3A_206 = arith.addi %parallel_loop3A_205, %parallel_loop3A_204 : i32
      %parallel_loop3A_207 = arith.constant 128 : i32
      %parallel_loop3A_208 = arith.muli %parallel_loop3A_206, %parallel_loop3A_207 : i32
      %parallel_loop3A_209 = vector.broadcast %parallel_loop3A_208 : i32 to vector<16xi32>
      %parallel_loop3A_210 = arith.addi %parallel_loop3A_209, %mul3A_47 : vector<16xi32>
      %parallel_loop3A_211 = arith.constant 36 : i32
      %parallel_loop3A_212 = vector.broadcast %parallel_loop3A_211 : i32 to vector<16xi32>
      %parallel_loop3A_213 = arith.addi %parallel_loop3A_210, %parallel_loop3A_212 : vector<16xi32>
      %parallel_loop3A_214 = arith.addi %parallel_loop3A_213, %parallel_loop3A_202 : vector<16xi32>
      tpu.vector_store_idx %arg17[%parallel_loop3A_214], %broadcast_in_dim3A_44 : memref<65536xf32, #tpu.memory_space<vmem>>[vector<16xi32>], vector<16xf32>,
    } {sc.loop_unroll_factor = 8 : i64, sc.parallel_access}
    %parallel_loop3A_83 = arith.constant 0 : i32
    %parallel_loop3A_84 = arith.constant 8 : i32
    %parallel_loop3A_85 = arith.constant 1 : i32
    scf.for %parallel_loop3A_191 = %parallel_loop3A_83 to %parallel_loop3A_84 step %parallel_loop3A_85  : i32 {
      %parallel_loop3A_192 = arith.constant 16 : i32
      %parallel_loop3A_193 = arith.muli %parallel_loop3A_191, %parallel_loop3A_192 : i32
      %parallel_loop3A_194 = arith.constant 128 : i32
      %parallel_loop3A_195 = arith.addi %parallel_loop3A_194, %parallel_loop3A_193 : i32
      %parallel_loop3A_196 = arith.constant 128 : i32
      %parallel_loop3A_197 = arith.muli %parallel_loop3A_195, %parallel_loop3A_196 : i32
      %parallel_loop3A_198 = vector.broadcast %parallel_loop3A_197 : i32 to vector<16xi32>
      %parallel_loop3A_199 = arith.addi %parallel_loop3A_198, %mul3A_47 : vector<16xi32>
      %parallel_loop3A_200 = arith.constant 32 : i32
      %parallel_loop3A_201 = vector.broadcast %parallel_loop3A_200 : i32 to vector<16xi32>
      %parallel_loop3A_202 = arith.addi %parallel_loop3A_199, %parallel_loop3A_201 : vector<16xi32>
      %parallel_loop3A_203 = arith.index_cast %parallel_loop3A_195 : i32 to index
      %parallel_loop3A_204 = tpu.vector_load %arg13[%parallel_loop3A_203] {strides = array<i32>} : memref<512xf32, #tpu.memory_space<vmem>>, vector<16xf32>,
      %parallel_loop3A_205 = arith.constant 4.500000e+01 : f32
      %parallel_loop3A_206 = vector.broadcast %parallel_loop3A_205 : f32 to vector<16xf32>
      %parallel_loop3A_207 = arith.subf %parallel_loop3A_204, %parallel_loop3A_206 : vector<16xf32>
      %parallel_loop3A_208 = arith.constant 2.000000e+01 : f32
      %parallel_loop3A_209 = vector.broadcast %parallel_loop3A_208 : f32 to vector<16xf32>
      %parallel_loop3A_210 = arith.divf %parallel_loop3A_207, %parallel_loop3A_209 : vector<16xf32>
      tpu.vector_store_idx %arg17[%parallel_loop3A_202], %parallel_loop3A_210 : memref<65536xf32, #tpu.memory_space<vmem>>[vector<16xi32>], vector<16xf32>,
      %parallel_loop3A_211 = arith.constant 1 : i32
      %parallel_loop3A_212 = vector.broadcast %parallel_loop3A_211 : i32 to vector<16xi32>
      %parallel_loop3A_213 = arith.addi %parallel_loop3A_202, %parallel_loop3A_212 : vector<16xi32>
      %parallel_loop3A_214 = arith.index_cast %parallel_loop3A_195 : i32 to index
      %parallel_loop3A_215 = tpu.vector_load %arg14[%parallel_loop3A_214] {strides = array<i32>} : memref<512xf32, #tpu.memory_space<vmem>>, vector<16xf32>,
      tpu.vector_store_idx %arg17[%parallel_loop3A_213], %parallel_loop3A_215 : memref<65536xf32, #tpu.memory_space<vmem>>[vector<16xi32>], vector<16xf32>,
      %parallel_loop3A_216 = arith.constant 2 : i32
      %parallel_loop3A_217 = vector.broadcast %parallel_loop3A_216 : i32 to vector<16xi32>
      %parallel_loop3A_218 = arith.addi %parallel_loop3A_202, %parallel_loop3A_217 : vector<16xi32>
      %parallel_loop3A_219 = arith.index_cast %parallel_loop3A_195 : i32 to index
      %parallel_loop3A_220 = tpu.vector_load %arg15[%parallel_loop3A_219] {strides = array<i32>} : memref<512xf32, #tpu.memory_space<vmem>>, vector<16xf32>,
      tpu.vector_store_idx %arg17[%parallel_loop3A_218], %parallel_loop3A_220 : memref<65536xf32, #tpu.memory_space<vmem>>[vector<16xi32>], vector<16xf32>,
      %parallel_loop3A_221 = arith.constant 3 : i32
      %parallel_loop3A_222 = vector.broadcast %parallel_loop3A_221 : i32 to vector<16xi32>
      %parallel_loop3A_223 = arith.addi %parallel_loop3A_202, %parallel_loop3A_222 : vector<16xi32>
      %parallel_loop3A_224 = arith.index_cast %parallel_loop3A_195 : i32 to index
      %parallel_loop3A_225 = tpu.vector_load %arg16[%parallel_loop3A_224] {strides = array<i32>} : memref<512xf32, #tpu.memory_space<vmem>>, vector<16xf32>,
      tpu.vector_store_idx %arg17[%parallel_loop3A_223], %parallel_loop3A_225 : memref<65536xf32, #tpu.memory_space<vmem>>[vector<16xi32>], vector<16xf32>,
    } {sc.loop_unroll_factor = 4 : i64, sc.parallel_access}
    %dma_wait3A_86 = arith.constant 128 : i32
    %dma_wait3A_87 = arith.constant 0 : i32
    %dma_wait3A_88 = tpu.memref_slice %arg11[%dma_wait3A_86, %dma_wait3A_87] : memref<512x32xf32, #tpu.memory_space<vmem>> -> memref<128x32xf32, #tpu.memory_space<vmem>>
    %dma_wait3A_89 = arith.constant 128 : i32
    %dma_wait3A_90 = tpu.memref_slice %arg10[%dma_wait3A_89] : memref<512xi32, #tpu.memory_space<vmem>> -> memref<128xi32, #tpu.memory_space<vmem>>
    %dma_wait3A_91 = arith.constant 0 : i32
    %dma_wait3A_92 = arith.constant 0 : i32
    %dma_wait3A_93 = tpu.memref_slice %arg2[%dma_wait3A_91, %dma_wait3A_92] : memref<100352x32xf32, #tpu.memory_space<hbm>> -> memref<100352x32xf32, #tpu.memory_space<hbm>>
    tpu.wait_indirect_dma semaphore(%arg18 : memref<!tpu.dma_semaphore, #tpu.memory_space<semaphore_mem>>) src(%dma_wait3A_93 : memref<100352x32xf32, #tpu.memory_space<hbm>>) dst(%dma_wait3A_88 : memref<128x32xf32, #tpu.memory_space<vmem>>)
    %parallel_loop3A_94 = arith.constant 0 : i32
    %parallel_loop3A_95 = arith.constant 128 : i32
    %parallel_loop3A_96 = arith.constant 1 : i32
    scf.for %parallel_loop3A_191 = %parallel_loop3A_94 to %parallel_loop3A_95 step %parallel_loop3A_96  : i32 {
      %parallel_loop3A_192 = arith.constant 128 : i32
      %parallel_loop3A_193 = arith.addi %parallel_loop3A_192, %parallel_loop3A_191 : i32
      %parallel_loop3A_194 = arith.constant 128 : i32
      %parallel_loop3A_195 = arith.muli %parallel_loop3A_193, %parallel_loop3A_194 : i32
      %parallel_loop3A_196 = arith.constant 128 : i32
      %parallel_loop3A_197 = arith.addi %parallel_loop3A_196, %parallel_loop3A_191 : i32
      %parallel_loop3A_198 = arith.index_cast %parallel_loop3A_197 : i32 to index
      %parallel_loop3A_199 = arith.constant 0 : index
      %parallel_loop3A_200 = tpu.vector_load %arg11[%parallel_loop3A_198, %parallel_loop3A_199] {strides = array<i32>} : memref<512x32xf32, #tpu.memory_space<vmem>>, vector<16xf32>,
      %parallel_loop3A_201 = arith.index_cast %parallel_loop3A_195 : i32 to index
      %parallel_loop3A_202 = tpu.vector_load %arg17[%parallel_loop3A_201] {strides = array<i32>} : memref<65536xf32, #tpu.memory_space<vmem>>, vector<16xf32>,
      tpu.vector_store %arg17[%parallel_loop3A_201], %parallel_loop3A_200 {strides = array<i32>} : memref<65536xf32, #tpu.memory_space<vmem>>, vector<16xf32>,
      %parallel_loop3A_203 = arith.constant 128 : i32
      %parallel_loop3A_204 = arith.addi %parallel_loop3A_203, %parallel_loop3A_191 : i32
      %parallel_loop3A_205 = arith.index_cast %parallel_loop3A_204 : i32 to index
      %parallel_loop3A_206 = arith.constant 16 : index
      %parallel_loop3A_207 = tpu.vector_load %arg11[%parallel_loop3A_205, %parallel_loop3A_206] {strides = array<i32>} : memref<512x32xf32, #tpu.memory_space<vmem>>, vector<16xf32>,
      %parallel_loop3A_208 = arith.constant 16 : i32
      %parallel_loop3A_209 = arith.addi %parallel_loop3A_195, %parallel_loop3A_208 : i32
      %parallel_loop3A_210 = arith.index_cast %parallel_loop3A_209 : i32 to index
      %parallel_loop3A_211 = tpu.vector_load %arg17[%parallel_loop3A_210] {strides = array<i32>} : memref<65536xf32, #tpu.memory_space<vmem>>, vector<16xf32>,
      tpu.vector_store %arg17[%parallel_loop3A_210], %parallel_loop3A_207 {strides = array<i32>} : memref<65536xf32, #tpu.memory_space<vmem>>, vector<16xf32>,
    } {sc.loop_unroll_factor = 8 : i64, sc.parallel_access}
    %add3A_97 = arith.constant 128 : i32
    %add3A_98 = arith.addi %mul3A_2, %add3A_97 : i32
    %mul3A_99 = arith.constant 128 : i32
    %mul3A_100 = arith.muli %add3A_98, %mul3A_99 : i32
    %dma_start3A_101 = arith.constant 16384 : i32
    %dma_start3A_102 = tpu.memref_slice %arg17[%dma_start3A_101] : memref<65536xf32, #tpu.memory_space<vmem>> -> memref<16384xf32, #tpu.memory_space<vmem>>
    %dma_start3A_103 = tpu.memref_slice %arg9[%mul3A_100] : memref<2097152xf32, #tpu.memory_space<hbm>> -> memref<16384xf32, #tpu.memory_space<hbm>>
    %dma_start3A_104 = tpu.memref_slice %arg9[%mul3A_100] : memref<2097152xf32, #tpu.memory_space<hbm>> -> memref<16384xf32, #tpu.memory_space<hbm>>
    %dma_start3A_105 = arith.constant 16384 : i32
    %dma_start3A_106 = tpu.memref_slice %arg17[%dma_start3A_105] : memref<65536xf32, #tpu.memory_space<vmem>> -> memref<16384xf32, #tpu.memory_space<vmem>>
    tpu.enqueue_dma source(%dma_start3A_106 : memref<16384xf32, #tpu.memory_space<vmem>>) target(%dma_start3A_104 : memref<16384xf32, #tpu.memory_space<hbm>>) target_semaphore(%arg19 : memref<!tpu.dma_semaphore, #tpu.memory_space<semaphore_mem>>)
    %parallel_loop3A_107 = arith.constant 0 : i32
    %parallel_loop3A_108 = arith.constant 128 : i32
    %parallel_loop3A_109 = arith.constant 1 : i32
    scf.for %parallel_loop3A_191 = %parallel_loop3A_107 to %parallel_loop3A_108 step %parallel_loop3A_109  : i32 {
      %parallel_loop3A_192 = arith.constant 256 : i32
      %parallel_loop3A_193 = arith.addi %parallel_loop3A_192, %parallel_loop3A_191 : i32
      %parallel_loop3A_194 = arith.constant 128 : i32
      %parallel_loop3A_195 = arith.muli %parallel_loop3A_193, %parallel_loop3A_194 : i32
      %parallel_loop3A_196 = arith.constant 36 : i32
      %parallel_loop3A_197 = arith.addi %parallel_loop3A_195, %parallel_loop3A_196 : i32
      %parallel_loop3A_198 = arith.index_cast %parallel_loop3A_197 : i32 to index
      %parallel_loop3A_199 = tpu.vector_load %arg17[%parallel_loop3A_198] {strides = array<i32>} : memref<65536xf32, #tpu.memory_space<vmem>>, vector<16xf32>,
      tpu.vector_store %arg17[%parallel_loop3A_198], %broadcast_in_dim3A_42 {strides = array<i32>} : memref<65536xf32, #tpu.memory_space<vmem>>, vector<16xf32>,
      %parallel_loop3A_200 = arith.constant 52 : i32
      %parallel_loop3A_201 = arith.addi %parallel_loop3A_195, %parallel_loop3A_200 : i32
      %parallel_loop3A_202 = arith.index_cast %parallel_loop3A_201 : i32 to index
      %parallel_loop3A_203 = tpu.vector_load %arg17[%parallel_loop3A_202] {strides = array<i32>} : memref<65536xf32, #tpu.memory_space<vmem>>, vector<16xf32>,
      tpu.vector_store %arg17[%parallel_loop3A_202], %broadcast_in_dim3A_42 {strides = array<i32>} : memref<65536xf32, #tpu.memory_space<vmem>>, vector<16xf32>,
      %parallel_loop3A_204 = arith.constant 68 : i32
      %parallel_loop3A_205 = arith.addi %parallel_loop3A_195, %parallel_loop3A_204 : i32
      %parallel_loop3A_206 = arith.index_cast %parallel_loop3A_205 : i32 to index
      %parallel_loop3A_207 = tpu.vector_load %arg17[%parallel_loop3A_206] {strides = array<i32>} : memref<65536xf32, #tpu.memory_space<vmem>>, vector<16xf32>,
      tpu.vector_store %arg17[%parallel_loop3A_206], %broadcast_in_dim3A_42 {strides = array<i32>} : memref<65536xf32, #tpu.memory_space<vmem>>, vector<16xf32>,
      %parallel_loop3A_208 = arith.constant 84 : i32
      %parallel_loop3A_209 = arith.addi %parallel_loop3A_195, %parallel_loop3A_208 : i32
      %parallel_loop3A_210 = arith.index_cast %parallel_loop3A_209 : i32 to index
      %parallel_loop3A_211 = tpu.vector_load %arg17[%parallel_loop3A_210] {strides = array<i32>} : memref<65536xf32, #tpu.memory_space<vmem>>, vector<16xf32>,
      tpu.vector_store %arg17[%parallel_loop3A_210], %broadcast_in_dim3A_42 {strides = array<i32>} : memref<65536xf32, #tpu.memory_space<vmem>>, vector<16xf32>,
      %parallel_loop3A_212 = arith.constant 85 : i32
      %parallel_loop3A_213 = arith.addi %parallel_loop3A_195, %parallel_loop3A_212 : i32
      %parallel_loop3A_214 = arith.index_cast %parallel_loop3A_213 : i32 to index
      %parallel_loop3A_215 = tpu.vector_load %arg17[%parallel_loop3A_214] {strides = array<i32>} : memref<65536xf32, #tpu.memory_space<vmem>>, vector<16xf32>,
      tpu.vector_store %arg17[%parallel_loop3A_214], %broadcast_in_dim3A_42 {strides = array<i32>} : memref<65536xf32, #tpu.memory_space<vmem>>, vector<16xf32>,
    } {sc.loop_unroll_factor = 8 : i64, sc.parallel_access}
    %parallel_loop3A_110 = arith.constant 0 : i32
    %parallel_loop3A_111 = arith.constant 64 : i32
    %parallel_loop3A_112 = arith.constant 1 : i32
    scf.for %parallel_loop3A_191 = %parallel_loop3A_110 to %parallel_loop3A_111 step %parallel_loop3A_112  : i32 {
      %parallel_loop3A_192 = arith.constant 3 : i32
      %parallel_loop3A_193 = arith.shrui %parallel_loop3A_191, %parallel_loop3A_192 : i32
      %parallel_loop3A_194 = arith.constant 7 : i32
      %parallel_loop3A_195 = arith.andi %parallel_loop3A_191, %parallel_loop3A_194 : i32
      %parallel_loop3A_196 = arith.constant 16 : i32
      %parallel_loop3A_197 = arith.muli %parallel_loop3A_195, %parallel_loop3A_196 : i32
      %parallel_loop3A_198 = arith.constant 2 : i32
      %parallel_loop3A_199 = arith.index_cast %parallel_loop3A_198 : i32 to index
      %parallel_loop3A_200 = arith.index_cast %parallel_loop3A_193 : i32 to index
      %parallel_loop3A_201 = arith.index_cast %parallel_loop3A_197 : i32 to index
      %parallel_loop3A_202 = tpu.vector_load %arg12[%parallel_loop3A_199, %parallel_loop3A_200, %parallel_loop3A_201] {strides = array<i32>} : memref<4x8x128xi32, #tpu.memory_space<vmem>>, vector<16xi32>,
      %parallel_loop3A_203 = arith.constant 16 : i32
      %parallel_loop3A_204 = arith.muli %parallel_loop3A_195, %parallel_loop3A_203 : i32
      %parallel_loop3A_205 = arith.constant 256 : i32
      %parallel_loop3A_206 = arith.addi %parallel_loop3A_205, %parallel_loop3A_204 : i32
      %parallel_loop3A_207 = arith.constant 128 : i32
      %parallel_loop3A_208 = arith.muli %parallel_loop3A_206, %parallel_loop3A_207 : i32
      %parallel_loop3A_209 = vector.broadcast %parallel_loop3A_208 : i32 to vector<16xi32>
      %parallel_loop3A_210 = arith.addi %parallel_loop3A_209, %mul3A_47 : vector<16xi32>
      %parallel_loop3A_211 = arith.constant 36 : i32
      %parallel_loop3A_212 = vector.broadcast %parallel_loop3A_211 : i32 to vector<16xi32>
      %parallel_loop3A_213 = arith.addi %parallel_loop3A_210, %parallel_loop3A_212 : vector<16xi32>
      %parallel_loop3A_214 = arith.addi %parallel_loop3A_213, %parallel_loop3A_202 : vector<16xi32>
      tpu.vector_store_idx %arg17[%parallel_loop3A_214], %broadcast_in_dim3A_44 : memref<65536xf32, #tpu.memory_space<vmem>>[vector<16xi32>], vector<16xf32>,
    } {sc.loop_unroll_factor = 8 : i64, sc.parallel_access}
    %parallel_loop3A_113 = arith.constant 0 : i32
    %parallel_loop3A_114 = arith.constant 8 : i32
    %parallel_loop3A_115 = arith.constant 1 : i32
    scf.for %parallel_loop3A_191 = %parallel_loop3A_113 to %parallel_loop3A_114 step %parallel_loop3A_115  : i32 {
      %parallel_loop3A_192 = arith.constant 16 : i32
      %parallel_loop3A_193 = arith.muli %parallel_loop3A_191, %parallel_loop3A_192 : i32
      %parallel_loop3A_194 = arith.constant 256 : i32
      %parallel_loop3A_195 = arith.addi %parallel_loop3A_194, %parallel_loop3A_193 : i32
      %parallel_loop3A_196 = arith.constant 128 : i32
      %parallel_loop3A_197 = arith.muli %parallel_loop3A_195, %parallel_loop3A_196 : i32
      %parallel_loop3A_198 = vector.broadcast %parallel_loop3A_197 : i32 to vector<16xi32>
      %parallel_loop3A_199 = arith.addi %parallel_loop3A_198, %mul3A_47 : vector<16xi32>
      %parallel_loop3A_200 = arith.constant 32 : i32
      %parallel_loop3A_201 = vector.broadcast %parallel_loop3A_200 : i32 to vector<16xi32>
      %parallel_loop3A_202 = arith.addi %parallel_loop3A_199, %parallel_loop3A_201 : vector<16xi32>
      %parallel_loop3A_203 = arith.index_cast %parallel_loop3A_195 : i32 to index
      %parallel_loop3A_204 = tpu.vector_load %arg13[%parallel_loop3A_203] {strides = array<i32>} : memref<512xf32, #tpu.memory_space<vmem>>, vector<16xf32>,
      %parallel_loop3A_205 = arith.constant 4.500000e+01 : f32
      %parallel_loop3A_206 = vector.broadcast %parallel_loop3A_205 : f32 to vector<16xf32>
      %parallel_loop3A_207 = arith.subf %parallel_loop3A_204, %parallel_loop3A_206 : vector<16xf32>
      %parallel_loop3A_208 = arith.constant 2.000000e+01 : f32
      %parallel_loop3A_209 = vector.broadcast %parallel_loop3A_208 : f32 to vector<16xf32>
      %parallel_loop3A_210 = arith.divf %parallel_loop3A_207, %parallel_loop3A_209 : vector<16xf32>
      tpu.vector_store_idx %arg17[%parallel_loop3A_202], %parallel_loop3A_210 : memref<65536xf32, #tpu.memory_space<vmem>>[vector<16xi32>], vector<16xf32>,
      %parallel_loop3A_211 = arith.constant 1 : i32
      %parallel_loop3A_212 = vector.broadcast %parallel_loop3A_211 : i32 to vector<16xi32>
      %parallel_loop3A_213 = arith.addi %parallel_loop3A_202, %parallel_loop3A_212 : vector<16xi32>
      %parallel_loop3A_214 = arith.index_cast %parallel_loop3A_195 : i32 to index
      %parallel_loop3A_215 = tpu.vector_load %arg14[%parallel_loop3A_214] {strides = array<i32>} : memref<512xf32, #tpu.memory_space<vmem>>, vector<16xf32>,
      tpu.vector_store_idx %arg17[%parallel_loop3A_213], %parallel_loop3A_215 : memref<65536xf32, #tpu.memory_space<vmem>>[vector<16xi32>], vector<16xf32>,
      %parallel_loop3A_216 = arith.constant 2 : i32
      %parallel_loop3A_217 = vector.broadcast %parallel_loop3A_216 : i32 to vector<16xi32>
      %parallel_loop3A_218 = arith.addi %parallel_loop3A_202, %parallel_loop3A_217 : vector<16xi32>
      %parallel_loop3A_219 = arith.index_cast %parallel_loop3A_195 : i32 to index
      %parallel_loop3A_220 = tpu.vector_load %arg15[%parallel_loop3A_219] {strides = array<i32>} : memref<512xf32, #tpu.memory_space<vmem>>, vector<16xf32>,
      tpu.vector_store_idx %arg17[%parallel_loop3A_218], %parallel_loop3A_220 : memref<65536xf32, #tpu.memory_space<vmem>>[vector<16xi32>], vector<16xf32>,
      %parallel_loop3A_221 = arith.constant 3 : i32
      %parallel_loop3A_222 = vector.broadcast %parallel_loop3A_221 : i32 to vector<16xi32>
      %parallel_loop3A_223 = arith.addi %parallel_loop3A_202, %parallel_loop3A_222 : vector<16xi32>
      %parallel_loop3A_224 = arith.index_cast %parallel_loop3A_195 : i32 to index
      %parallel_loop3A_225 = tpu.vector_load %arg16[%parallel_loop3A_224] {strides = array<i32>} : memref<512xf32, #tpu.memory_space<vmem>>, vector<16xf32>,
      tpu.vector_store_idx %arg17[%parallel_loop3A_223], %parallel_loop3A_225 : memref<65536xf32, #tpu.memory_space<vmem>>[vector<16xi32>], vector<16xf32>,
    } {sc.loop_unroll_factor = 4 : i64, sc.parallel_access}
    %dma_wait3A_116 = arith.constant 256 : i32
    %dma_wait3A_117 = arith.constant 0 : i32
    %dma_wait3A_118 = tpu.memref_slice %arg11[%dma_wait3A_116, %dma_wait3A_117] : memref<512x32xf32, #tpu.memory_space<vmem>> -> memref<128x32xf32, #tpu.memory_space<vmem>>
    %dma_wait3A_119 = arith.constant 256 : i32
    %dma_wait3A_120 = tpu.memref_slice %arg10[%dma_wait3A_119] : memref<512xi32, #tpu.memory_space<vmem>> -> memref<128xi32, #tpu.memory_space<vmem>>
    %dma_wait3A_121 = arith.constant 0 : i32
    %dma_wait3A_122 = arith.constant 0 : i32
    %dma_wait3A_123 = tpu.memref_slice %arg2[%dma_wait3A_121, %dma_wait3A_122] : memref<100352x32xf32, #tpu.memory_space<hbm>> -> memref<100352x32xf32, #tpu.memory_space<hbm>>
    tpu.wait_indirect_dma semaphore(%arg18 : memref<!tpu.dma_semaphore, #tpu.memory_space<semaphore_mem>>) src(%dma_wait3A_123 : memref<100352x32xf32, #tpu.memory_space<hbm>>) dst(%dma_wait3A_118 : memref<128x32xf32, #tpu.memory_space<vmem>>)
    %parallel_loop3A_124 = arith.constant 0 : i32
    %parallel_loop3A_125 = arith.constant 128 : i32
    %parallel_loop3A_126 = arith.constant 1 : i32
    scf.for %parallel_loop3A_191 = %parallel_loop3A_124 to %parallel_loop3A_125 step %parallel_loop3A_126  : i32 {
      %parallel_loop3A_192 = arith.constant 256 : i32
      %parallel_loop3A_193 = arith.addi %parallel_loop3A_192, %parallel_loop3A_191 : i32
      %parallel_loop3A_194 = arith.constant 128 : i32
      %parallel_loop3A_195 = arith.muli %parallel_loop3A_193, %parallel_loop3A_194 : i32
      %parallel_loop3A_196 = arith.constant 256 : i32
      %parallel_loop3A_197 = arith.addi %parallel_loop3A_196, %parallel_loop3A_191 : i32
      %parallel_loop3A_198 = arith.index_cast %parallel_loop3A_197 : i32 to index
      %parallel_loop3A_199 = arith.constant 0 : index
      %parallel_loop3A_200 = tpu.vector_load %arg11[%parallel_loop3A_198, %parallel_loop3A_199] {strides = array<i32>} : memref<512x32xf32, #tpu.memory_space<vmem>>, vector<16xf32>,
      %parallel_loop3A_201 = arith.index_cast %parallel_loop3A_195 : i32 to index
      %parallel_loop3A_202 = tpu.vector_load %arg17[%parallel_loop3A_201] {strides = array<i32>} : memref<65536xf32, #tpu.memory_space<vmem>>, vector<16xf32>,
      tpu.vector_store %arg17[%parallel_loop3A_201], %parallel_loop3A_200 {strides = array<i32>} : memref<65536xf32, #tpu.memory_space<vmem>>, vector<16xf32>,
      %parallel_loop3A_203 = arith.constant 256 : i32
      %parallel_loop3A_204 = arith.addi %parallel_loop3A_203, %parallel_loop3A_191 : i32
      %parallel_loop3A_205 = arith.index_cast %parallel_loop3A_204 : i32 to index
      %parallel_loop3A_206 = arith.constant 16 : index
      %parallel_loop3A_207 = tpu.vector_load %arg11[%parallel_loop3A_205, %parallel_loop3A_206] {strides = array<i32>} : memref<512x32xf32, #tpu.memory_space<vmem>>, vector<16xf32>,
      %parallel_loop3A_208 = arith.constant 16 : i32
      %parallel_loop3A_209 = arith.addi %parallel_loop3A_195, %parallel_loop3A_208 : i32
      %parallel_loop3A_210 = arith.index_cast %parallel_loop3A_209 : i32 to index
      %parallel_loop3A_211 = tpu.vector_load %arg17[%parallel_loop3A_210] {strides = array<i32>} : memref<65536xf32, #tpu.memory_space<vmem>>, vector<16xf32>,
      tpu.vector_store %arg17[%parallel_loop3A_210], %parallel_loop3A_207 {strides = array<i32>} : memref<65536xf32, #tpu.memory_space<vmem>>, vector<16xf32>,
    } {sc.loop_unroll_factor = 8 : i64, sc.parallel_access}
    %add3A_127 = arith.constant 256 : i32
    %add3A_128 = arith.addi %mul3A_2, %add3A_127 : i32
    %mul3A_129 = arith.constant 128 : i32
    %mul3A_130 = arith.muli %add3A_128, %mul3A_129 : i32
    %dma_start3A_131 = arith.constant 32768 : i32
    %dma_start3A_132 = tpu.memref_slice %arg17[%dma_start3A_131] : memref<65536xf32, #tpu.memory_space<vmem>> -> memref<16384xf32, #tpu.memory_space<vmem>>
    %dma_start3A_133 = tpu.memref_slice %arg9[%mul3A_130] : memref<2097152xf32, #tpu.memory_space<hbm>> -> memref<16384xf32, #tpu.memory_space<hbm>>
    %dma_start3A_134 = tpu.memref_slice %arg9[%mul3A_130] : memref<2097152xf32, #tpu.memory_space<hbm>> -> memref<16384xf32, #tpu.memory_space<hbm>>
    %dma_start3A_135 = arith.constant 32768 : i32
    %dma_start3A_136 = tpu.memref_slice %arg17[%dma_start3A_135] : memref<65536xf32, #tpu.memory_space<vmem>> -> memref<16384xf32, #tpu.memory_space<vmem>>
    tpu.enqueue_dma source(%dma_start3A_136 : memref<16384xf32, #tpu.memory_space<vmem>>) target(%dma_start3A_134 : memref<16384xf32, #tpu.memory_space<hbm>>) target_semaphore(%arg19 : memref<!tpu.dma_semaphore, #tpu.memory_space<semaphore_mem>>)
    %parallel_loop3A_137 = arith.constant 0 : i32
    %parallel_loop3A_138 = arith.constant 128 : i32
    %parallel_loop3A_139 = arith.constant 1 : i32
    scf.for %parallel_loop3A_191 = %parallel_loop3A_137 to %parallel_loop3A_138 step %parallel_loop3A_139  : i32 {
      %parallel_loop3A_192 = arith.constant 384 : i32
      %parallel_loop3A_193 = arith.addi %parallel_loop3A_192, %parallel_loop3A_191 : i32
      %parallel_loop3A_194 = arith.constant 128 : i32
      %parallel_loop3A_195 = arith.muli %parallel_loop3A_193, %parallel_loop3A_194 : i32
      %parallel_loop3A_196 = arith.constant 36 : i32
      %parallel_loop3A_197 = arith.addi %parallel_loop3A_195, %parallel_loop3A_196 : i32
      %parallel_loop3A_198 = arith.index_cast %parallel_loop3A_197 : i32 to index
      %parallel_loop3A_199 = tpu.vector_load %arg17[%parallel_loop3A_198] {strides = array<i32>} : memref<65536xf32, #tpu.memory_space<vmem>>, vector<16xf32>,
      tpu.vector_store %arg17[%parallel_loop3A_198], %broadcast_in_dim3A_42 {strides = array<i32>} : memref<65536xf32, #tpu.memory_space<vmem>>, vector<16xf32>,
      %parallel_loop3A_200 = arith.constant 52 : i32
      %parallel_loop3A_201 = arith.addi %parallel_loop3A_195, %parallel_loop3A_200 : i32
      %parallel_loop3A_202 = arith.index_cast %parallel_loop3A_201 : i32 to index
      %parallel_loop3A_203 = tpu.vector_load %arg17[%parallel_loop3A_202] {strides = array<i32>} : memref<65536xf32, #tpu.memory_space<vmem>>, vector<16xf32>,
      tpu.vector_store %arg17[%parallel_loop3A_202], %broadcast_in_dim3A_42 {strides = array<i32>} : memref<65536xf32, #tpu.memory_space<vmem>>, vector<16xf32>,
      %parallel_loop3A_204 = arith.constant 68 : i32
      %parallel_loop3A_205 = arith.addi %parallel_loop3A_195, %parallel_loop3A_204 : i32
      %parallel_loop3A_206 = arith.index_cast %parallel_loop3A_205 : i32 to index
      %parallel_loop3A_207 = tpu.vector_load %arg17[%parallel_loop3A_206] {strides = array<i32>} : memref<65536xf32, #tpu.memory_space<vmem>>, vector<16xf32>,
      tpu.vector_store %arg17[%parallel_loop3A_206], %broadcast_in_dim3A_42 {strides = array<i32>} : memref<65536xf32, #tpu.memory_space<vmem>>, vector<16xf32>,
      %parallel_loop3A_208 = arith.constant 84 : i32
      %parallel_loop3A_209 = arith.addi %parallel_loop3A_195, %parallel_loop3A_208 : i32
      %parallel_loop3A_210 = arith.index_cast %parallel_loop3A_209 : i32 to index
      %parallel_loop3A_211 = tpu.vector_load %arg17[%parallel_loop3A_210] {strides = array<i32>} : memref<65536xf32, #tpu.memory_space<vmem>>, vector<16xf32>,
      tpu.vector_store %arg17[%parallel_loop3A_210], %broadcast_in_dim3A_42 {strides = array<i32>} : memref<65536xf32, #tpu.memory_space<vmem>>, vector<16xf32>,
      %parallel_loop3A_212 = arith.constant 85 : i32
      %parallel_loop3A_213 = arith.addi %parallel_loop3A_195, %parallel_loop3A_212 : i32
      %parallel_loop3A_214 = arith.index_cast %parallel_loop3A_213 : i32 to index
      %parallel_loop3A_215 = tpu.vector_load %arg17[%parallel_loop3A_214] {strides = array<i32>} : memref<65536xf32, #tpu.memory_space<vmem>>, vector<16xf32>,
      tpu.vector_store %arg17[%parallel_loop3A_214], %broadcast_in_dim3A_42 {strides = array<i32>} : memref<65536xf32, #tpu.memory_space<vmem>>, vector<16xf32>,
    } {sc.loop_unroll_factor = 8 : i64, sc.parallel_access}
    %parallel_loop3A_140 = arith.constant 0 : i32
    %parallel_loop3A_141 = arith.constant 64 : i32
    %parallel_loop3A_142 = arith.constant 1 : i32
    scf.for %parallel_loop3A_191 = %parallel_loop3A_140 to %parallel_loop3A_141 step %parallel_loop3A_142  : i32 {
      %parallel_loop3A_192 = arith.constant 3 : i32
      %parallel_loop3A_193 = arith.shrui %parallel_loop3A_191, %parallel_loop3A_192 : i32
      %parallel_loop3A_194 = arith.constant 7 : i32
      %parallel_loop3A_195 = arith.andi %parallel_loop3A_191, %parallel_loop3A_194 : i32
      %parallel_loop3A_196 = arith.constant 16 : i32
      %parallel_loop3A_197 = arith.muli %parallel_loop3A_195, %parallel_loop3A_196 : i32
      %parallel_loop3A_198 = arith.constant 3 : i32
      %parallel_loop3A_199 = arith.index_cast %parallel_loop3A_198 : i32 to index
      %parallel_loop3A_200 = arith.index_cast %parallel_loop3A_193 : i32 to index
      %parallel_loop3A_201 = arith.index_cast %parallel_loop3A_197 : i32 to index
      %parallel_loop3A_202 = tpu.vector_load %arg12[%parallel_loop3A_199, %parallel_loop3A_200, %parallel_loop3A_201] {strides = array<i32>} : memref<4x8x128xi32, #tpu.memory_space<vmem>>, vector<16xi32>,
      %parallel_loop3A_203 = arith.constant 16 : i32
      %parallel_loop3A_204 = arith.muli %parallel_loop3A_195, %parallel_loop3A_203 : i32
      %parallel_loop3A_205 = arith.constant 384 : i32
      %parallel_loop3A_206 = arith.addi %parallel_loop3A_205, %parallel_loop3A_204 : i32
      %parallel_loop3A_207 = arith.constant 128 : i32
      %parallel_loop3A_208 = arith.muli %parallel_loop3A_206, %parallel_loop3A_207 : i32
      %parallel_loop3A_209 = vector.broadcast %parallel_loop3A_208 : i32 to vector<16xi32>
      %parallel_loop3A_210 = arith.addi %parallel_loop3A_209, %mul3A_47 : vector<16xi32>
      %parallel_loop3A_211 = arith.constant 36 : i32
      %parallel_loop3A_212 = vector.broadcast %parallel_loop3A_211 : i32 to vector<16xi32>
      %parallel_loop3A_213 = arith.addi %parallel_loop3A_210, %parallel_loop3A_212 : vector<16xi32>
      %parallel_loop3A_214 = arith.addi %parallel_loop3A_213, %parallel_loop3A_202 : vector<16xi32>
      tpu.vector_store_idx %arg17[%parallel_loop3A_214], %broadcast_in_dim3A_44 : memref<65536xf32, #tpu.memory_space<vmem>>[vector<16xi32>], vector<16xf32>,
    } {sc.loop_unroll_factor = 8 : i64, sc.parallel_access}
    %parallel_loop3A_143 = arith.constant 0 : i32
    %parallel_loop3A_144 = arith.constant 8 : i32
    %parallel_loop3A_145 = arith.constant 1 : i32
    scf.for %parallel_loop3A_191 = %parallel_loop3A_143 to %parallel_loop3A_144 step %parallel_loop3A_145  : i32 {
      %parallel_loop3A_192 = arith.constant 16 : i32
      %parallel_loop3A_193 = arith.muli %parallel_loop3A_191, %parallel_loop3A_192 : i32
      %parallel_loop3A_194 = arith.constant 384 : i32
      %parallel_loop3A_195 = arith.addi %parallel_loop3A_194, %parallel_loop3A_193 : i32
      %parallel_loop3A_196 = arith.constant 128 : i32
      %parallel_loop3A_197 = arith.muli %parallel_loop3A_195, %parallel_loop3A_196 : i32
      %parallel_loop3A_198 = vector.broadcast %parallel_loop3A_197 : i32 to vector<16xi32>
      %parallel_loop3A_199 = arith.addi %parallel_loop3A_198, %mul3A_47 : vector<16xi32>
      %parallel_loop3A_200 = arith.constant 32 : i32
      %parallel_loop3A_201 = vector.broadcast %parallel_loop3A_200 : i32 to vector<16xi32>
      %parallel_loop3A_202 = arith.addi %parallel_loop3A_199, %parallel_loop3A_201 : vector<16xi32>
      %parallel_loop3A_203 = arith.index_cast %parallel_loop3A_195 : i32 to index
      %parallel_loop3A_204 = tpu.vector_load %arg13[%parallel_loop3A_203] {strides = array<i32>} : memref<512xf32, #tpu.memory_space<vmem>>, vector<16xf32>,
      %parallel_loop3A_205 = arith.constant 4.500000e+01 : f32
      %parallel_loop3A_206 = vector.broadcast %parallel_loop3A_205 : f32 to vector<16xf32>
      %parallel_loop3A_207 = arith.subf %parallel_loop3A_204, %parallel_loop3A_206 : vector<16xf32>
      %parallel_loop3A_208 = arith.constant 2.000000e+01 : f32
      %parallel_loop3A_209 = vector.broadcast %parallel_loop3A_208 : f32 to vector<16xf32>
      %parallel_loop3A_210 = arith.divf %parallel_loop3A_207, %parallel_loop3A_209 : vector<16xf32>
      tpu.vector_store_idx %arg17[%parallel_loop3A_202], %parallel_loop3A_210 : memref<65536xf32, #tpu.memory_space<vmem>>[vector<16xi32>], vector<16xf32>,
      %parallel_loop3A_211 = arith.constant 1 : i32
      %parallel_loop3A_212 = vector.broadcast %parallel_loop3A_211 : i32 to vector<16xi32>
      %parallel_loop3A_213 = arith.addi %parallel_loop3A_202, %parallel_loop3A_212 : vector<16xi32>
      %parallel_loop3A_214 = arith.index_cast %parallel_loop3A_195 : i32 to index
      %parallel_loop3A_215 = tpu.vector_load %arg14[%parallel_loop3A_214] {strides = array<i32>} : memref<512xf32, #tpu.memory_space<vmem>>, vector<16xf32>,
      tpu.vector_store_idx %arg17[%parallel_loop3A_213], %parallel_loop3A_215 : memref<65536xf32, #tpu.memory_space<vmem>>[vector<16xi32>], vector<16xf32>,
      %parallel_loop3A_216 = arith.constant 2 : i32
      %parallel_loop3A_217 = vector.broadcast %parallel_loop3A_216 : i32 to vector<16xi32>
      %parallel_loop3A_218 = arith.addi %parallel_loop3A_202, %parallel_loop3A_217 : vector<16xi32>
      %parallel_loop3A_219 = arith.index_cast %parallel_loop3A_195 : i32 to index
      %parallel_loop3A_220 = tpu.vector_load %arg15[%parallel_loop3A_219] {strides = array<i32>} : memref<512xf32, #tpu.memory_space<vmem>>, vector<16xf32>,
      tpu.vector_store_idx %arg17[%parallel_loop3A_218], %parallel_loop3A_220 : memref<65536xf32, #tpu.memory_space<vmem>>[vector<16xi32>], vector<16xf32>,
      %parallel_loop3A_221 = arith.constant 3 : i32
      %parallel_loop3A_222 = vector.broadcast %parallel_loop3A_221 : i32 to vector<16xi32>
      %parallel_loop3A_223 = arith.addi %parallel_loop3A_202, %parallel_loop3A_222 : vector<16xi32>
      %parallel_loop3A_224 = arith.index_cast %parallel_loop3A_195 : i32 to index
      %parallel_loop3A_225 = tpu.vector_load %arg16[%parallel_loop3A_224] {strides = array<i32>} : memref<512xf32, #tpu.memory_space<vmem>>, vector<16xf32>,
      tpu.vector_store_idx %arg17[%parallel_loop3A_223], %parallel_loop3A_225 : memref<65536xf32, #tpu.memory_space<vmem>>[vector<16xi32>], vector<16xf32>,
    } {sc.loop_unroll_factor = 4 : i64, sc.parallel_access}
    %dma_wait3A_146 = arith.constant 384 : i32
    %dma_wait3A_147 = arith.constant 0 : i32
    %dma_wait3A_148 = tpu.memref_slice %arg11[%dma_wait3A_146, %dma_wait3A_147] : memref<512x32xf32, #tpu.memory_space<vmem>> -> memref<128x32xf32, #tpu.memory_space<vmem>>
    %dma_wait3A_149 = arith.constant 384 : i32
    %dma_wait3A_150 = tpu.memref_slice %arg10[%dma_wait3A_149] : memref<512xi32, #tpu.memory_space<vmem>> -> memref<128xi32, #tpu.memory_space<vmem>>
    %dma_wait3A_151 = arith.constant 0 : i32
    %dma_wait3A_152 = arith.constant 0 : i32
    %dma_wait3A_153 = tpu.memref_slice %arg2[%dma_wait3A_151, %dma_wait3A_152] : memref<100352x32xf32, #tpu.memory_space<hbm>> -> memref<100352x32xf32, #tpu.memory_space<hbm>>
    tpu.wait_indirect_dma semaphore(%arg18 : memref<!tpu.dma_semaphore, #tpu.memory_space<semaphore_mem>>) src(%dma_wait3A_153 : memref<100352x32xf32, #tpu.memory_space<hbm>>) dst(%dma_wait3A_148 : memref<128x32xf32, #tpu.memory_space<vmem>>)
    %parallel_loop3A_154 = arith.constant 0 : i32
    %parallel_loop3A_155 = arith.constant 128 : i32
    %parallel_loop3A_156 = arith.constant 1 : i32
    scf.for %parallel_loop3A_191 = %parallel_loop3A_154 to %parallel_loop3A_155 step %parallel_loop3A_156  : i32 {
      %parallel_loop3A_192 = arith.constant 384 : i32
      %parallel_loop3A_193 = arith.addi %parallel_loop3A_192, %parallel_loop3A_191 : i32
      %parallel_loop3A_194 = arith.constant 128 : i32
      %parallel_loop3A_195 = arith.muli %parallel_loop3A_193, %parallel_loop3A_194 : i32
      %parallel_loop3A_196 = arith.constant 384 : i32
      %parallel_loop3A_197 = arith.addi %parallel_loop3A_196, %parallel_loop3A_191 : i32
      %parallel_loop3A_198 = arith.index_cast %parallel_loop3A_197 : i32 to index
      %parallel_loop3A_199 = arith.constant 0 : index
      %parallel_loop3A_200 = tpu.vector_load %arg11[%parallel_loop3A_198, %parallel_loop3A_199] {strides = array<i32>} : memref<512x32xf32, #tpu.memory_space<vmem>>, vector<16xf32>,
      %parallel_loop3A_201 = arith.index_cast %parallel_loop3A_195 : i32 to index
      %parallel_loop3A_202 = tpu.vector_load %arg17[%parallel_loop3A_201] {strides = array<i32>} : memref<65536xf32, #tpu.memory_space<vmem>>, vector<16xf32>,
      tpu.vector_store %arg17[%parallel_loop3A_201], %parallel_loop3A_200 {strides = array<i32>} : memref<65536xf32, #tpu.memory_space<vmem>>, vector<16xf32>,
      %parallel_loop3A_203 = arith.constant 384 : i32
      %parallel_loop3A_204 = arith.addi %parallel_loop3A_203, %parallel_loop3A_191 : i32
      %parallel_loop3A_205 = arith.index_cast %parallel_loop3A_204 : i32 to index
      %parallel_loop3A_206 = arith.constant 16 : index
      %parallel_loop3A_207 = tpu.vector_load %arg11[%parallel_loop3A_205, %parallel_loop3A_206] {strides = array<i32>} : memref<512x32xf32, #tpu.memory_space<vmem>>, vector<16xf32>,
      %parallel_loop3A_208 = arith.constant 16 : i32
      %parallel_loop3A_209 = arith.addi %parallel_loop3A_195, %parallel_loop3A_208 : i32
      %parallel_loop3A_210 = arith.index_cast %parallel_loop3A_209 : i32 to index
      %parallel_loop3A_211 = tpu.vector_load %arg17[%parallel_loop3A_210] {strides = array<i32>} : memref<65536xf32, #tpu.memory_space<vmem>>, vector<16xf32>,
      tpu.vector_store %arg17[%parallel_loop3A_210], %parallel_loop3A_207 {strides = array<i32>} : memref<65536xf32, #tpu.memory_space<vmem>>, vector<16xf32>,
    } {sc.loop_unroll_factor = 8 : i64, sc.parallel_access}
    %add3A_157 = arith.constant 384 : i32
    %add3A_158 = arith.addi %mul3A_2, %add3A_157 : i32
    %mul3A_159 = arith.constant 128 : i32
    %mul3A_160 = arith.muli %add3A_158, %mul3A_159 : i32
    %dma_start3A_161 = arith.constant 49152 : i32
    %dma_start3A_162 = tpu.memref_slice %arg17[%dma_start3A_161] : memref<65536xf32, #tpu.memory_space<vmem>> -> memref<16384xf32, #tpu.memory_space<vmem>>
    %dma_start3A_163 = tpu.memref_slice %arg9[%mul3A_160] : memref<2097152xf32, #tpu.memory_space<hbm>> -> memref<16384xf32, #tpu.memory_space<hbm>>
    %dma_start3A_164 = tpu.memref_slice %arg9[%mul3A_160] : memref<2097152xf32, #tpu.memory_space<hbm>> -> memref<16384xf32, #tpu.memory_space<hbm>>
    %dma_start3A_165 = arith.constant 49152 : i32
    %dma_start3A_166 = tpu.memref_slice %arg17[%dma_start3A_165] : memref<65536xf32, #tpu.memory_space<vmem>> -> memref<16384xf32, #tpu.memory_space<vmem>>
    tpu.enqueue_dma source(%dma_start3A_166 : memref<16384xf32, #tpu.memory_space<vmem>>) target(%dma_start3A_164 : memref<16384xf32, #tpu.memory_space<hbm>>) target_semaphore(%arg19 : memref<!tpu.dma_semaphore, #tpu.memory_space<semaphore_mem>>)
    %dma_wait3A_167 = arith.constant 0 : i32
    %dma_wait3A_168 = tpu.memref_slice %arg17[%dma_wait3A_167] : memref<65536xf32, #tpu.memory_space<vmem>> -> memref<16384xf32, #tpu.memory_space<vmem>>
    %dma_wait3A_169 = tpu.memref_slice %arg9[%mul3A_70] : memref<2097152xf32, #tpu.memory_space<hbm>> -> memref<16384xf32, #tpu.memory_space<hbm>>
    %dma_wait3A_170 = tpu.memref_slice %arg9[%mul3A_70] : memref<2097152xf32, #tpu.memory_space<hbm>> -> memref<16384xf32, #tpu.memory_space<hbm>>
    %dma_wait3A_171 = arith.constant 0 : i32
    %dma_wait3A_172 = tpu.memref_slice %arg17[%dma_wait3A_171] : memref<65536xf32, #tpu.memory_space<vmem>> -> memref<16384xf32, #tpu.memory_space<vmem>>
    tpu.wait_dma2 semaphore(%arg19 : memref<!tpu.dma_semaphore, #tpu.memory_space<semaphore_mem>>) src(%dma_wait3A_172 : memref<16384xf32, #tpu.memory_space<vmem>>) dst(%dma_wait3A_170 : memref<16384xf32, #tpu.memory_space<hbm>>)
    %dma_wait3A_173 = arith.constant 16384 : i32
    %dma_wait3A_174 = tpu.memref_slice %arg17[%dma_wait3A_173] : memref<65536xf32, #tpu.memory_space<vmem>> -> memref<16384xf32, #tpu.memory_space<vmem>>
    %dma_wait3A_175 = tpu.memref_slice %arg9[%mul3A_100] : memref<2097152xf32, #tpu.memory_space<hbm>> -> memref<16384xf32, #tpu.memory_space<hbm>>
    %dma_wait3A_176 = tpu.memref_slice %arg9[%mul3A_100] : memref<2097152xf32, #tpu.memory_space<hbm>> -> memref<16384xf32, #tpu.memory_space<hbm>>
    %dma_wait3A_177 = arith.constant 16384 : i32
    %dma_wait3A_178 = tpu.memref_slice %arg17[%dma_wait3A_177] : memref<65536xf32, #tpu.memory_space<vmem>> -> memref<16384xf32, #tpu.memory_space<vmem>>
    tpu.wait_dma2 semaphore(%arg19 : memref<!tpu.dma_semaphore, #tpu.memory_space<semaphore_mem>>) src(%dma_wait3A_178 : memref<16384xf32, #tpu.memory_space<vmem>>) dst(%dma_wait3A_176 : memref<16384xf32, #tpu.memory_space<hbm>>)
    %dma_wait3A_179 = arith.constant 32768 : i32
    %dma_wait3A_180 = tpu.memref_slice %arg17[%dma_wait3A_179] : memref<65536xf32, #tpu.memory_space<vmem>> -> memref<16384xf32, #tpu.memory_space<vmem>>
    %dma_wait3A_181 = tpu.memref_slice %arg9[%mul3A_130] : memref<2097152xf32, #tpu.memory_space<hbm>> -> memref<16384xf32, #tpu.memory_space<hbm>>
    %dma_wait3A_182 = tpu.memref_slice %arg9[%mul3A_130] : memref<2097152xf32, #tpu.memory_space<hbm>> -> memref<16384xf32, #tpu.memory_space<hbm>>
    %dma_wait3A_183 = arith.constant 32768 : i32
    %dma_wait3A_184 = tpu.memref_slice %arg17[%dma_wait3A_183] : memref<65536xf32, #tpu.memory_space<vmem>> -> memref<16384xf32, #tpu.memory_space<vmem>>
    tpu.wait_dma2 semaphore(%arg19 : memref<!tpu.dma_semaphore, #tpu.memory_space<semaphore_mem>>) src(%dma_wait3A_184 : memref<16384xf32, #tpu.memory_space<vmem>>) dst(%dma_wait3A_182 : memref<16384xf32, #tpu.memory_space<hbm>>)
    %dma_wait3A_185 = arith.constant 49152 : i32
    %dma_wait3A_186 = tpu.memref_slice %arg17[%dma_wait3A_185] : memref<65536xf32, #tpu.memory_space<vmem>> -> memref<16384xf32, #tpu.memory_space<vmem>>
    %dma_wait3A_187 = tpu.memref_slice %arg9[%mul3A_160] : memref<2097152xf32, #tpu.memory_space<hbm>> -> memref<16384xf32, #tpu.memory_space<hbm>>
    %dma_wait3A_188 = tpu.memref_slice %arg9[%mul3A_160] : memref<2097152xf32, #tpu.memory_space<hbm>> -> memref<16384xf32, #tpu.memory_space<hbm>>
    %dma_wait3A_189 = arith.constant 49152 : i32
    %dma_wait3A_190 = tpu.memref_slice %arg17[%dma_wait3A_189] : memref<65536xf32, #tpu.memory_space<vmem>> -> memref<16384xf32, #tpu.memory_space<vmem>>
    tpu.wait_dma2 semaphore(%arg19 : memref<!tpu.dma_semaphore, #tpu.memory_space<semaphore_mem>>) src(%dma_wait3A_190 : memref<16384xf32, #tpu.memory_space<vmem>>) dst(%dma_wait3A_188 : memref<16384xf32, #tpu.memory_space<hbm>>)
    return
  }
}

module attributes {stable_mosaic.version = 14 : i64} {
  func.func @_k1_body(%arg0: i32, %arg1: memref<32x6272xf32, #tpu.memory_space<vmem>>, %arg2: memref<32x6272xf32, #tpu.memory_space<vmem>>, %arg3: memref<32x6272xf32, #tpu.memory_space<vmem>>, %arg4: memref<32x6272xf32, #tpu.memory_space<vmem>>, %arg5: memref<6272x128xf32, #tpu.memory_space<vmem>>) attributes {dimension_semantics = [#tpu.dimension_semantics<arbitrary>], iteration_bounds = array<i64: 4>, scalar_prefetch = 0 : i64, scratch_operands = 0 : i64, tpu.core_type = #tpu.core_type<tc>, window_params = [{transform_indices = @transform_0, window_bounds = array<i64: 32, 6272>}, {transform_indices = @transform_1, window_bounds = array<i64: 32, 6272>}, {transform_indices = @transform_2, window_bounds = array<i64: 32, 6272>}, {transform_indices = @transform_3, window_bounds = array<i64: 32, 6272>}, {transform_indices = @transform_4, window_bounds = array<i64: 6272, 128>}]} {
    %get3A = arith.constant 0 : index
    %get3A_0 = arith.constant 0 : index
    %get3A_1 = vector.load %arg1[%get3A, %get3A_0] : memref<32x6272xf32, #tpu.memory_space<vmem>>, vector<32x6272xf32>
    %get3A_2 = arith.constant 0 : index
    %get3A_3 = arith.constant 0 : index
    %get3A_4 = vector.load %arg2[%get3A_2, %get3A_3] : memref<32x6272xf32, #tpu.memory_space<vmem>>, vector<32x6272xf32>
    %get3A_5 = arith.constant 0 : index
    %get3A_6 = arith.constant 0 : index
    %get3A_7 = vector.load %arg3[%get3A_5, %get3A_6] : memref<32x6272xf32, #tpu.memory_space<vmem>>, vector<32x6272xf32>
    %get3A_8 = arith.constant 0 : index
    %get3A_9 = arith.constant 0 : index
    %get3A_10 = vector.load %arg4[%get3A_8, %get3A_9] : memref<32x6272xf32, #tpu.memory_space<vmem>>, vector<32x6272xf32>
    %concatenate3A = tpu.concatenate %get3A_1, %get3A_4, %get3A_7, %get3A_10 in 0 : vector<32x6272xf32>, vector<32x6272xf32>, vector<32x6272xf32>, vector<32x6272xf32> -> vector<128x6272xf32>
    %transpose3A = tpu.transpose %concatenate3A, [1, 0] : vector<128x6272xf32> -> vector<6272x128xf32>
    %swap3A = arith.constant 0 : index
    %swap3A_11 = arith.constant 0 : index
    %swap3A_12 = vector.load %arg5[%swap3A, %swap3A_11] : memref<6272x128xf32, #tpu.memory_space<vmem>>, vector<6272x128xf32>
    tpu.vector_store %arg5[%swap3A, %swap3A_11], %transpose3A {strides = array<i32>} : memref<6272x128xf32, #tpu.memory_space<vmem>>, vector<6272x128xf32>,
    return
  }
  func.func @transform_0(%arg0: i32) -> (i32, i32) {
    %add3A = arith.constant 0 : i32
    %add3A_0 = arith.addi %arg0, %add3A : i32
    %c0_i32 = arith.constant 0 : i32
    %c0_i32_1 = arith.constant 0 : i32
    return %c0_i32, %add3A_0 : i32, i32
  }
  func.func @transform_1(%arg0: i32) -> (i32, i32) {
    %add3A = arith.constant 4 : i32
    %add3A_0 = arith.addi %arg0, %add3A : i32
    %c0_i32 = arith.constant 0 : i32
    %c0_i32_1 = arith.constant 0 : i32
    return %c0_i32, %add3A_0 : i32, i32
  }
  func.func @transform_2(%arg0: i32) -> (i32, i32) {
    %add3A = arith.constant 8 : i32
    %add3A_0 = arith.addi %arg0, %add3A : i32
    %c0_i32 = arith.constant 0 : i32
    %c0_i32_1 = arith.constant 0 : i32
    return %c0_i32, %add3A_0 : i32, i32
  }
  func.func @transform_3(%arg0: i32) -> (i32, i32) {
    %add3A = arith.constant 12 : i32
    %add3A_0 = arith.addi %arg0, %add3A : i32
    %c0_i32 = arith.constant 0 : i32
    %c0_i32_1 = arith.constant 0 : i32
    return %c0_i32, %add3A_0 : i32, i32
  }
  func.func @transform_4(%arg0: i32) -> (i32, i32) {
    %c0_i32 = arith.constant 0 : i32
    %c0_i32_0 = arith.constant 0 : i32
    return %arg0, %c0_i32 : i32, i32
  }
}

module attributes {stable_mosaic.version = 14 : i64} {
  func.func @_k3_body(%arg0: i32, %arg1: memref<4096x128xf32, #tpu.memory_space<vmem>>, %arg2: memref<101x4096xf32, #tpu.memory_space<vmem>>) attributes {dimension_semantics = [#tpu.dimension_semantics<arbitrary>], iteration_bounds = array<i64: 4>, scalar_prefetch = 0 : i64, scratch_operands = 0 : i64, tpu.core_type = #tpu.core_type<tc>, window_params = [{transform_indices = @transform_0, window_bounds = array<i64: 4096, 128>}, {transform_indices = @transform_1, window_bounds = array<i64: 101, 4096>}]} {
    %get3A = arith.constant 0 : index
    %get3A_0 = arith.constant 0 : index
    %get3A_1 = vector.load %arg1[%get3A, %get3A_0] : memref<4096x128xf32, #tpu.memory_space<vmem>>, vector<4096x128xf32>
    %transpose3A = tpu.transpose %get3A_1, [1, 0] : vector<4096x128xf32> -> vector<128x4096xf32>
    %slice3A = vector.extract_strided_slice %transpose3A {offsets = [0, 0], sizes = [101, 4096], strides = [1, 1]} : vector<128x4096xf32> to vector<101x4096xf32>
    %swap3A = arith.constant 0 : index
    %swap3A_2 = arith.constant 0 : index
    %swap3A_3 = vector.load %arg2[%swap3A, %swap3A_2] : memref<101x4096xf32, #tpu.memory_space<vmem>>, vector<101x4096xf32>
    tpu.vector_store %arg2[%swap3A, %swap3A_2], %slice3A {strides = array<i32>} : memref<101x4096xf32, #tpu.memory_space<vmem>>, vector<101x4096xf32>,
    return
  }
  func.func @transform_0(%arg0: i32) -> (i32, i32) {
    %c0_i32 = arith.constant 0 : i32
    %c0_i32_0 = arith.constant 0 : i32
    return %arg0, %c0_i32 : i32, i32
  }
  func.func @transform_1(%arg0: i32) -> (i32, i32) {
    %c0_i32 = arith.constant 0 : i32
    %c0_i32_0 = arith.constant 0 : i32
    return %c0_i32, %arg0 : i32, i32
  }
}

</mosaic_0001>

<sc_bundles>
// kernel: kernel.5.cloned.1.call-start
scs
__scs_entry_jumppad:
0x0: {  	(pc) =	sbr.rel $0x88, $3  }
0x1: {  	(tag) =	ssettag $0x0;
	lr =	simm.s32 $0x1  }
0x2: {  	[smem:$0x3F9A] =	sst lr;
	_ =	strace $0xD0000000  }
0x3: {  	_ = 	snop  }
0x4: {  	_ = 	snop  }
0x5: {  	_ = 	snop  }
0x6: {  	_ = 	snop  }
0x7: {  	_ = 	snop  }
__scs_overlays_trampoline_lowered:
0x8: {  	[smem:$0x3FA9] =	sst s0  }
0x9: {  	[smem:$0x3FAA] =	sst s1  }
0xa: {  	[smem:$0x3FAB] =	sst s2  }
0xb: {  	[smem:$0x3FAC] =	sst s3  }
0xc: {  	[smem:$0x3FAD] =	sst s4  }
0xd: {  	[smem:$0x3FAE] =	sst s5  }
0xe: {  	[smem:$0x3FAF] =	sst s6  }
0xf: {  	[smem:$0x3FB0] =	sst s7  }
0x10: {  	[smem:$0x3FB1] =	sst s8  }
0x11: {  	[smem:$0x3FB2] =	sst s9;
	s0 =	simm.s32 @!p0 $0x0  }
0x12: {  	s1 =	sld [smem:$0x3F98];
	s0 =	simm.s32 @p0 $0x1  }
0x13: {  	[smem:$0x3FB3] =	sst s0;
	s0 =	simm.s32 @!p1 $0x0  }
0x14: {  	s2 =	sld [smem:$0x3F97];
	s0 =	simm.s32 @p1 $0x1  }
0x15: {  	[smem:$0x3FB4] =	sst s0;
	s0 =	simm.s32 @!p2 $0x0  }
0x16: {  	s3 =	sld [smem:$0x3FDB];
	s0 =	simm.s32 @p2 $0x1  }
0x17: {  	s4 =	simm.s32 $0x1BF5;
	[smem:$0x3FB6] =	sst s0  }
0x18: {  	s0 =	sld [smem:$0x3F99];
	_ =	swait.ge [sflag:s4], $0x0  }
0x19: {  	s7 =	sld [smem:$0x3F9A]  }
0x1a: {  	s8 =	sadd.s32 $0xFFFFE003, lr  }
0x1b: {  	s9 =	sadd.s32 $0xFFFFFEF7, lr;
	s5 =	simm.s32 $0xFFFFFFFF;
	p2 =	slt.u32 s8, $0xFFFFF086  }
0x1c: {  	p1 =	slt.u32 s9, $0xF7A;
	s5 =	simm.s32 @!p2 $0x0  }
0x1d: {  	s5 =	simm.s32 @p1 $0x1;
	p0 =	seq.s32 s7, s2  }
0x1e: {  	s7 =	smul.u32 @!p0 $0xF7A, s2;
	p2 =	seq.s32 @!p0 s5, $0x0  }
0x1f: {  	s9 =	smul.u32 $0xF7A, s1;
	s8 =	simm.s32 @!p0 $0x1BF5;
	p2 =	por !p2, p0  }
0x20: {  	[sflag:s8] =	ssyncset.s32 @!p0 $0xFFFFF086;
	s6 =	sadd.s32 @!p0 s3, s7;
	s7 =	simm.s32 @!p0 $0x108  }
0x21: {  	s3 =	sadd.s32 s3, s9;
	s6 =	sadd.s32 @!p0 $0x88, s6;
	s7 =	simm.s32 @p2 $0x1082  }
0x22: {  	[simem:s7], [sflag:s8] =	dma.local @!p0 [hbm:s6], $0xF7A  }
0x23: {  	s9 =	sor.u32 $0xD0000000, s2;
	s6 =	simm.s32 $0x108;
	_ =	swait.ge @!p0 [sflag:s8], $0x0  }
0x24: {  	s3 =	sadd.s32 $0x88, s3;
	s6 =	simm.s32 @!p1 $0x1082;
	[sflag:s4] =	ssyncset.s32 $0xFFFFF086  }
0x25: {  	[simem:s6], [sflag:s4] =	dma.local [hbm:s3], $0xF7A  }
0x26: {  	[smem:$0x3F9A] =	sst s1;
	(tag) =	ssettag s2;
	_ =	strace s9  }
0x27: {  	s1 =	sld [smem:$0x3FAA]  }
0x28: {  	s2 =	sld [smem:$0x3FAB]  }
0x29: {  	s4 =	sld [smem:$0x3FAD]  }
0x2a: {  	p0 =	seq.s32 s5, $0x0;
	s5 =	sld [smem:$0x3FAE]  }
0x2b: {  	s6 =	sld [smem:$0x3FAF]  }
0x2c: {  	s7 =	sld [smem:$0x3FB0]  }
0x2d: {  	s3 =	simm.s32 $0x108;
	s8 =	sld [smem:$0x3FB1]  }
0x2e: {  	s3 =	simm.s32 @!p0 $0x1082;
	s9 =	sld [smem:$0x3FB2]  }
0x2f: {  	lr =	sadd.s32 s0, s3;
	s0 =	sld [smem:$0x3FA9]  }
0x30: {  	s3 =	sld [smem:$0x3FAC]  }
0x31: {  	[smem:$0x3FB5] =	sst s10  }
0x32: {  	s10 =	sld [smem:$0x3FB3];
	_ =	sdelay $0x3  }
0x33: {  	p0 =	seq.s32 s10, $0x1;
	s10 =	sld [smem:$0x3FB5];
	_ =	sdelay $0x3  }
0x34: {  	[smem:$0x3FB5] =	sst s10  }
0x35: {  	s10 =	sld [smem:$0x3FB4];
	_ =	sdelay $0x3  }
0x36: {  	p1 =	seq.s32 s10, $0x1;
	s10 =	sld [smem:$0x3FB5];
	_ =	sdelay $0x3  }
0x37: {  	[smem:$0x3FB5] =	sst s10  }
0x38: {  	s10 =	sld [smem:$0x3FB6]  }
0x39: {  	_ = 	snop;
	(pc) =	sbr.ind lr, $3  }
0x3a: {  	_ = 	snop  }
0x3b: {  	_ = 	snop  }
0x3c: {  	p2 =	seq.s32 s10, $0x1;
	s10 =	sld [smem:$0x3FB5]  }
0x3d: {  	_ =	shalt  }
0x3e: {  	_ =	shalt  }
0x3f: {  	_ =	shalt  }
0x40: {  	_ =	shalt  }
0x41: {  	_ =	shalt  }
0x42: {  	_ =	shalt  }
0x43: {  	_ =	shalt  }
0x44: {  	_ =	shalt  }
0x45: {  	_ =	shalt  }
0x46: {  	_ =	shalt  }
0x47: {  	_ =	shalt  }
0x48: {  	_ =	shalt  }
0x49: {  	_ =	shalt  }
0x4a: {  	_ =	shalt  }
0x4b: {  	_ =	shalt  }
0x4c: {  	_ =	shalt  }
0x4d: {  	_ =	shalt  }
0x4e: {  	_ =	shalt  }
0x4f: {  	_ =	shalt  }
0x50: {  	_ =	shalt  }
0x51: {  	_ =	shalt  }
0x52: {  	_ =	shalt  }
0x53: {  	_ =	shalt  }
0x54: {  	_ =	shalt  }
0x55: {  	_ =	shalt  }
0x56: {  	_ =	shalt  }
0x57: {  	_ =	shalt  }
0x58: {  	_ =	shalt  }
0x59: {  	_ =	shalt  }
0x5a: {  	_ =	shalt  }
0x5b: {  	_ =	shalt  }
0x5c: {  	_ =	shalt  }
0x5d: {  	_ =	shalt  }
0x5e: {  	_ =	shalt  }
0x5f: {  	_ =	shalt  }
0x60: {  	_ =	shalt  }
0x61: {  	_ =	shalt  }
0x62: {  	_ =	shalt  }
0x63: {  	_ =	shalt  }
0x64: {  	_ =	shalt  }
0x65: {  	_ =	shalt  }
0x66: {  	_ =	shalt  }
0x67: {  	_ =	shalt  }
0x68: {  	_ =	shalt  }
0x69: {  	_ =	shalt  }
0x6a: {  	_ =	shalt  }
0x6b: {  	_ =	shalt  }
0x6c: {  	_ =	shalt  }
0x6d: {  	_ =	shalt  }
0x6e: {  	_ =	shalt  }
0x6f: {  	_ =	shalt  }
0x70: {  	_ =	shalt  }
0x71: {  	_ =	shalt  }
0x72: {  	_ =	shalt  }
0x73: {  	_ =	shalt  }
0x74: {  	_ =	shalt  }
0x75: {  	_ =	shalt  }
0x76: {  	_ =	shalt  }
0x77: {  	_ =	shalt  }
0x78: {  	_ =	shalt  }
0x79: {  	_ =	shalt  }
0x7a: {  	_ =	shalt  }
0x7b: {  	_ =	shalt  }
0x7c: {  	_ =	shalt  }
0x7d: {  	_ =	shalt  }
0x7e: {  	_ =	shalt  }
0x7f: {  	_ =	shalt  }
0x80: {  	_ =	shalt  }
0x81: {  	_ =	shalt  }
0x82: {  	_ =	shalt  }
0x83: {  	_ =	shalt  }
0x84: {  	_ =	shalt  }
0x85: {  	_ =	shalt  }
0x86: {  	_ =	shalt  }
0x87: {  	_ =	shalt  }
.Lfunc_end0:
.L_simem_size_0:
called_computation_lowered:
.L_overlay_start_0:
0x88: {  	s2 =	sld [smem:$0x3FD9]  }
0x89: {  	s3 =	sld [smem:$0x3FFE];
	_ =	sdelay $0x1  }
0x8a: {  	s1 =	srdreg.scid  }
0x8b: {  	s0 =	sand.u32 $0x1, s1  }
0x8c: {  	s17 =	sshll.u32 s0, $0xA;
	s2 =	sadd.s32 s3, s2  }
0x8d: {  	s2 =	sadd.s32 s2, s17  }
0x8e: {  	[smem:$0x3FC1] =	sst s2  }
0x8f: {  	_ = 	snop  }
0x90: {  	s2 =	sld [smem:$0x3FC9]  }
0x91: {  	s18 =	sld [smem:$0x3FC8]  }
0x92: {  	s4 =	sld [smem:$0x3FC7]  }
0x93: {  	s5 =	sld [smem:$0x3FC6]  }
0x94: {  	s6 =	sld [smem:$0x3FC5]  }
0x95: {  	s7 =	sld [smem:$0x3FC4];
	(tm) =	ssettm $0x1  }
0x96: {  	s8 =	sld [smem:$0x3FFB];
	_ =	sdelay $0x3  }
0x97: {  	_ =	strace s8  }
0x98: {  	s8 =	sld [smem:$0x3FFC];
	_ =	sdelay $0x3  }
0x99: {  	_ =	strace s8  }
0x9a: {  	s8 =	sld [smem:$0x3FFD];
	_ =	sdelay $0x3  }
0x9b: {  	_ =	strace s8  }
0x9c: {  	_ =	strace $0x8FFFFFFF  }
0x9d: {  	s19 =	sld [smem:$0x3FDB];
	_ =	sdelay $0x1  }
0x9e: {  	s9 =	simm.s32 $_scs_section_size  }
0x9f: {  	s10 =	simm.s32 $_size__tile_overlayer_lowered;
	s11 =	simm.s32 $_tile_overlayer_lowered  }
0xa0: {  	s22 =	simm.s32 $0x1BFF;
	s21 =	sshll.u32 s11, $0x1;
	s8 =	sadd.s32 s9, s19  }
0xa1: {  	s12 =	simm.s32 $0x0;
	s20 =	sshll.u32 s10, $0x1;
	s10 =	sadd.s32 s21, s8  }
0xa2: {  	[timem:s12], [sflag:s22] =	dma.local [hbm:s10], s20  }
0xa3: {  	_ =	swait.ge [sflag:s22], s20  }
0xa4: {  	s9 =	ssub.s32 $0x0, s20;
	[sflag:s22] =	ssyncset.done $0x0  }
0xa5: {  	[sflag:s22] =	ssyncadd.s32 s9;
	_ =	sdelay $0x1  }
0xa6: {  	s23 =	simm.s32 $0x1B8B  }
0xa7: {  	_ =	swait.ge [sflag:s23], $0x1  }
0xa8: {  	[sflag:s23] =	ssyncset.done $0x0  }
0xa9: {  	s25 =	simm.s32 $0x1B8E;
	s24 =	sld [smem:$0x3FFE];
	[sflag:s23] =	ssyncadd.s32 $0xFFFFFFFF  }
0xaa: {  	s26 =	simm.s32 $execute0_lowered;
	[smem:$0x3FD2] =	sst s25  }
0xab: {  	s10 =	sshll.u32 s26, $0x1;
	_ =	strace $0x80000046;
	[dreg:$0x1] =	wrdreg $0xFFFFFFFF  }
0xac: {  	s28 =	simm.s32 $_size_execute0_lowered;
	s8 =	sadd.s32 s8, s10;
	[dreg:$0x0] =	wrdreg $0x0  }
0xad: {  	s10 =	sshll.u32 s28, $0x1;
	[dreg:$0x2] =	wrdreg s8  }
0xae: {  	[dreg:$0x3] =	wrdreg s10  }
0xaf: {  	[dreg:$0x4] =	wrdreg $0xC0  }
0xb0: {  	_ =	task [dreg:s12], $0x5FFFF  }
0xb1: {  	[dreg:$0x1] =	wrdreg $0xFFFFFFFF  }
0xb2: {  	[dreg:$0x0] =	wrdreg $0x60  }
0xb3: {  	[dreg:$0x2] =	wrdreg s24  }
0xb4: {  	[dreg:$0x3] =	wrdreg s2  }
0xb5: {  	[dreg:$0x4] =	wrdreg s18  }
0xb6: {  	[dreg:$0x5] =	wrdreg s4  }
0xb7: {  	[dreg:$0x6] =	wrdreg s5  }
0xb8: {  	[dreg:$0x7] =	wrdreg s6  }
0xb9: {  	[dreg:$0x8] =	wrdreg s7  }
0xba: {  	[dreg:$0x9] =	wrdreg $0x9  }
0xbb: {  	_ =	task.clear_ibuf [dreg:s12], $0xAFFFF;
	_ =	strace $0x90000046  }
0xbc: {  	s29 =	simm.s32 $0x9;
	_ =	strace $0x80000048  }
0xbd: {  	_ =	swait.ge [sflag:s29], $0x1  }
0xbe: {  	[sflag:s29] =	ssyncadd.s32 $0xFFFFFFFF  }
0xbf: {  	_ =	strace $0x90000048  }
0xc0: {  	_ =	sfence  }
0xc1: {  	s30 =	sld [smem:$0x0];
	_ =	sdelay $0x2  }
0xc2: {  	s31 =	sshll.u32 s1, $0xD;
	s1 =	sshrl.u32 s1, $0x2  }
0xc3: {  	s3 =	sand.u32 $0x4000, s31;
	s1 =	sadd.s32 s1, s30  }
0xc4: {  	s0 =	sor.u32 s3, s0;
	s1 =	sshll.u32 s1, $0x11  }
0xc5: {  	s0 =	sor.u32 s1, s0  }
0xc6: {  	s0 =	sadd.s32 $0x8F2B, s0  }
0xc7: {  	[sflag:s0] =	ssyncadd.remote.s32 $0x1  }
0xc8: {  	_ =	sfence.sel $0xFFFF  }
0xc9: {  	[dreg:$0x0] =	wrdreg $0xFFFFFFFF;
	(pc) =	sbr.abs _section_cstart, $3  }
0xca: {  	[dreg:$0x1] =	wrdreg $0xFFFFFFFF  }
0xcb: {  	_ =	task.clear_ibuf [dreg:s12], $0x2FFFF;
	_ =	strace $0x9FFFFFFF  }
0xcc: {  	(tm) =	ssettm $0x7FFFFFFF  }
0xcd: {  	_ =	shalt  }
tec
execute0_lowered:
.L_overlay_start_1:
0x0: {  	(tag) =	ssettag $0x1  }
0x1: {  	s0 =	rddreg [dreg:$0x0]  }
0x2: {  	s1 =	rddreg [dreg:$0x1]  }
0x3: {  	s6 =	rddreg [dreg:$0x2]  }
0x4: {  	s7 =	rddreg [dreg:$0x3]  }
0x5: {  	s8 =	rddreg [dreg:$0x4]  }
0x6: {  	s9 =	rddreg [dreg:$0x5];
	s2 =	simm.s32 $0x0  }
0x7: {  	v0 =	vlaneseq.u32;
	[smem:$0x7FF] =	sst s2  }
0x8: {  	s5 =	rddreg [dreg:$0x6];
	v1 =	vimm.f32 $2.000000000e+01;
	v3 =	vimm.f32 $1.000000000e+00;
	v39 =	vmul.u32 $0x80, v0;
	_ =	strace $0x80000047  }
0x9: {  	v0 =	vimm.s32 $0x0;
	(erf) = vrcp.f32 v1;
	v1 =	vimm.f32 $0.0e+00  }
0xa: {  	s3 =	srdreg.scid;
	v2 =	vor.u32 $0x24, v39;
	v4 =	vor.u32 $0x824, v39;
	v5 =	vor.u32 $0x1024, v39  }
0xb: {  	s10 =	stileid.u32;
	s15 =	simm.s32 $0x3;
	s16 =	simm.s32 $0x80;
	v6 =	vor.u32 $0x1824, v39;
	v7 =	vor.u32 $0x2024, v39;
	v8 =	vor.u32 $0x2824, v39  }
0xc: {  	s28 =	simm.s32 $0x5800;
	s29 =	simm.s32 $0x5A00;
	s30 =	simm.s32 $0x1;
	v9 =	vor.u32 $0x3024, v39;
	v10 =	vor.u32 $0x3824, v39;
	v11 =	vor.u32 $0x20, v39  }
0xd: {  	s31 =	simm.s32 $0x9A00;
	s4 =	sand.u32 $0x1, s3;
	s24 =	sshll.u32 s10, $0x1;
	v12 =	vor.u32 $0x21, v39;
	v13 =	vor.u32 $0x22, v39;
	v14 =	vor.u32 $0x23, v39  }
0xe: {  	s17 =	simm.s32 $0x2;
	s18 =	simm.s32 $0x0;
	s10 =	sor.u32 s4, s24;
	v15 =	vor.u32 $0x4024, v39;
	v16 =	vor.u32 $0x4824, v39;
	v17 =	vor.u32 $0x5024, v39  }
0xf: {  	s3 =	sadd.s32 $0x800, s0;
	s4 =	ssub.s32 $0x2, s4;
	s11 =	sshll.u32 s10, $0xD;
	v18 =	vor.u32 $0x5824, v39;
	v19 =	vor.u32 $0x6024, v39;
	v20 =	vor.u32 $0x6824, v39  }
0x10: {  	s25 =	sshrl.u32 s4, $0x1;
	s12 =	sshll.u32 s10, $0x6;
	s26 =	sshll.u32 s10, $0x9;
	v21 =	vor.u32 $0x7024, v39;
	v22 =	vor.u32 $0x7824, v39;
	v23 =	vor.u32 $0x8024, v39  }
0x11: {  	v24 =	vor.u32 $0x8824, v39;
	v25 =	vor.u32 $0x9024, v39;
	v26 =	vor.u32 $0x9824, v39;
	s0 =	sadd.s32 s11, s0;
	s14 =	ssub.s32 s4, s25;
	s4 =	sadd.s32 s1, s12  }
0x12: {  	v27 =	vor.u32 $0xA024, v39;
	v28 =	vor.u32 $0xA824, v39;
	v29 =	vor.u32 $0xB024, v39;
	s5 =	sadd.s32 s5, s26;
	s6 =	sadd.s32 s6, s12;
	s7 =	sadd.s32 s7, s12  }
0x13: {  	v30 =	vor.u32 $0xB824, v39;
	v31 =	vor.u32 $0xC024, v39;
	v32 =	vor.u32 $0xC824, v39;
	s8 =	sadd.s32 s8, s12;
	s9 =	sadd.s32 s9, s12;
	s1 =	simm.s32 $0x11A00  }
0x14: {  	v33 =	vor.u32 $0xD024, v39;
	v34 =	vor.u32 $0xD824, v39;
	v35 =	vor.u32 $0xE024, v39;
	s10 =	sadd.s32 $0x62800, s0;
	s11 =	sadd.s32 $0x63000, s0;
	s12 =	sadd.s32 $0x63800, s0  }
0x15: {  	v37 =	vor.u32 $0xE824, v39;
	v38 =	vor.u32 $0xF024, v39;
	v39 =	vor.u32 $0xF824, v39;
	s13 =	sadd.s32 $0x64000, s0;
	s14 =	smax.u32 s14, $0x1;
	s0 =	simm.s32 $0xDA00;
	v36 =	vpop (erf)  }
.LBB2_1:
0x16: {  	[tilespmem:s2], [sflag:$0x3] =	stream.linear.gather [hbm4b:s4+s2], $0x200, $0x38;
	[tilespmem:$0x15A00] =	vst v63  }
0x17: {  	_ =	swait.ge [sflag:s15], $0x200  }
0x18: {  	[sflag:s15] =	ssyncset.done $0x0  }
0x19: {  	s19 =	simm.s32 $0x20;
	[sflag:s15] =	ssyncadd.s32 $0xFFFFFE00  }
0x1a: {  	v40 =	vld [tilespmem:s19+$0x10]  }
0x1b: {  	v45 =	vld [tilespmem:s19+$0xFFFFFFF0]  }
0x1c: {  	v46 =	vld [tilespmem:s19+$0xFFFFFFE0]  }
0x1d: {  	v47 =	vld [tilespmem:s19+$0x0];
	_ =	sdelay $0x3  }
0x1e: {  	vm0 =	vgt.s32 v40, $0x61FF;
	vm1 =	vgt.s32 v40, $0xC3FF  }
0x1f: {  	vm2 =	vgt.s32 v46, $0xC3FF;
	vm3 =	vgt.s32 v45, $0xC3FF;
	vm4 =	vgt.s32 v47, $0x61FF  }
0x20: {  	s20 =	simm.s32 $0x60;
	v41 =	vsel vm0, $0x1, v0;
	v42 =	vsel vm1, $0x1, v0;
	vm0 =	vgt.s32 v40, $0x125FF  }
0x21: {  	v63 =	vld [tilespmem:s20+$0x10];
	vm1 =	vgt.s32 v45, $0x61FF;
	v44 =	vsel vm2, $0x1, v0;
	v49 =	vsel vm3, $0x1, v0  }
0x22: {  	v58 =	vsel vm4, $0x1, v0;
	vm2 =	vgt.s32 v47, $0x125FF;
	v41 =	vadd.s32 v42, v41  }
0x23: {  	v57 =	vsel vm0, $0x1, v0;
	vm0 =	vgt.s32 v46, $0x61FF;
	v48 =	vsel vm1, $0x1, v0  }
0x24: {  	vm1 =	vgt.s32 v45, $0x125FF;
	v56 =	vsel vm2, $0x1, v0;
	v42 =	vadd.s32 v57, v41  }
0x25: {  	v43 =	vsel vm0, $0x1, v0;
	vm0 =	vgt.s32 v47, $0xC3FF;
	v60 =	vadd.s32 v49, v48  }
0x26: {  	v62 =	vsel vm1, $0x1, v0;
	vm1 =	vgt.s32 v63, $0xC3FF;
	v41 =	vmul.u32 $0x3FFF9E00, v42  }
0x27: {  	v50 =	vsel vm0, $0x1, v0;
	vm0 =	vgt.s32 v46, $0x125FF;
	v59 =	vadd.s32 v44, v43  }
0x28: {  	v44 =	vld [tilespmem:s20+$0xFFFFFFF0];
	v53 =	vsel vm1, $0x1, v0;
	v61 =	vsel vm0, $0x1, v0;
	v50 =	vadd.s32 v50, v58  }
0x29: {  	v43 =	vld [tilespmem:s20+$0xFFFFFFE0];
	vm0 =	vgt.s32 v63, $0x61FF;
	v40 =	vadd.s32 v40, v41;
	v41 =	vadd.s32 v61, v59  }
0x2a: {  	v59 =	vsel vm0, $0x1, v0;
	vm0 =	vgt.s32 v63, $0x125FF;
	v51 =	vshll.u32 v40, $0x2  }
0x2b: {  	v40 =	vadd.s32 v62, v60;
	v57 =	vmul.u32 $0x3FFF9E00, v41;
	v60 =	vadd.s32 v53, v59  }
0x2c: {  	v61 =	vsel vm0, $0x1, v0;
	v51 =	vadd.s32 v42, v51;
	v42 =	vadd.s32 v56, v50  }
0x2d: {  	v52 =	vmul.u32 $0x3FFF9E00, v40;
	v50 =	vmul.u32 $0x3FFF9E00, v42;
	v46 =	vadd.s32 v46, v57  }
0x2e: {  	vm0 =	vgt.s32 v44, $0x61FF;
	vm1 =	vgt.s32 v43, $0x61FF;
	vm2 =	vgt.s32 v43, $0xC3FF  }
0x2f: {  	vm3 =	vgt.s32 v44, $0xC3FF;
	v58 =	vadd.s32 v45, v52;
	v45 =	vld [tilespmem:s20+$0x0];
	v46 =	vshll.u32 v46, $0x2  }
0x30: {  	v62 =	vsel vm1, $0x1, v0;
	v47 =	vadd.s32 v47, v50;
	v50 =	vadd.s32 v61, v60  }
0x31: {  	v54 =	vsel vm2, $0x1, v0;
	vm2 =	vgt.s32 v44, $0x125FF;
	v52 =	vmul.u32 $0x3FFF9E00, v50  }
0x32: {  	v55 =	vsel vm3, $0x1, v0;
	v48 =	vshll.u32 v58, $0x2;
	v53 =	vsel vm2, $0x1, v0  }
0x33: {  	v47 =	vshll.u32 v47, $0x2;
	v49 =	vadd.s32 v63, v52;
	v63 =	vsel vm0, $0x1, v0  }
0x34: {  	vm15 =	vgt.s32 v45, $0x61FF;
	vm1 =	vgt.s32 v45, $0xC3FF;
	v49 =	vshll.u32 v49, $0x2  }
0x35: {  	vm0 =	vgt.s32 v45, $0x125FF;
	v56 =	vsel vm15, $0x1, v0;
	v57 =	vadd.s32 v50, v49  }
0x36: {  	[tilespmem:s19+$0x10] =	vst v51;
	v58 =	vsel vm1, $0x1, v0;
	vm1 =	vgt.s32 v43, $0x125FF;
	v49 =	vadd.s32 v54, v62  }
0x37: {  	s21 =	simm.s32 $0x4;
	s22 =	simm.s32 $0xA0;
	v50 =	vadd.s32 v55, v63;
	[tilespmem:s20+$0x10] =	vst v57;
	v52 =	vsel vm1, $0x1, v0;
	v51 =	vadd.s32 v58, v56  }
.LBB2_2:
0x38: {  	v54 =	vld [tilespmem:s22+$0x10];
	s21 =	sadd.s32 $0x4, s21;
	v49 =	vadd.s32 v52, v49;
	v50 =	vadd.s32 v53, v50;
	v52 =	vsel vm0, $0x1, v0  }
0x39: {  	v53 =	vld [tilespmem:s22+$0xFFFFFFF0];
	p0 =	slt.u32 s21, $0x1C;
	v55 =	vmul.u32 $0x3FFF9E00, v49;
	v56 =	vmul.u32 $0x3FFF9E00, v50;
	v51 =	vadd.s32 v52, v51  }
0x3a: {  	v46 =	vadd.s32 v41, v46;
	v58 =	vadd.s32 v40, v48;
	v41 =	vmovc v49;
	v40 =	vmovc v50;
	v52 =	vld [tilespmem:s22+$0x0];
	v57 =	vmul.u32 $0x3FFF9E00, v51  }
0x3b: {  	v49 =	vadd.s32 v42, v47;
	v48 =	vadd.s32 v43, v55;
	v43 =	vld [tilespmem:s22+$0xFFFFFFE0];
	v44 =	vadd.s32 v44, v56;
	[tilespmem:s19+$0xFFFFFFE0] =	vst v46  }
0x3c: {  	v42 =	vmovc v51;
	v46 =	vshll.u32 v48, $0x2;
	v48 =	vshll.u32 v44, $0x2;
	v50 =	vadd.s32 v45, v57;
	[tilespmem:s19+$0xFFFFFFF0] =	vst v58  }
0x3d: {  	vm0 =	vgt.s32 v54, $0x61FF;
	vm1 =	vgt.s32 v54, $0xC3FF;
	v47 =	vshll.u32 v50, $0x2;
	[tilespmem:s19+$0x0] =	vst v49;
	s19 =	smov.u32 s20;
	s20 =	smov.u32 s22  }
0x3e: {  	v51 =	vsel vm0, $0x1, v0;
	v49 =	vsel vm1, $0x1, v0;
	vm0 =	vgt.s32 v54, $0x125FF;
	v44 =	vmovc v53  }
0x3f: {  	vm1 =	vgt.s32 v44, $0x61FF;
	v49 =	vadd.s32 v49, v51;
	v50 =	vsel vm0, $0x1, v0;
	v45 =	vmovc v52  }
0x40: {  	vm0 =	vgt.s32 v43, $0x61FF;
	vm2 =	vgt.s32 v43, $0xC3FF;
	v49 =	vadd.s32 v50, v49  }
0x41: {  	vm3 =	vgt.s32 v44, $0xC3FF;
	vm4 =	vgt.s32 v45, $0x61FF;
	v50 =	vmul.u32 $0x3FFF9E00, v49  }
0x42: {  	v51 =	vsel vm0, $0x1, v0;
	v52 =	vsel vm2, $0x1, v0;
	vm0 =	vgt.s32 v45, $0xC3FF  }
.Ltmp0:
0x43: {  	v53 =	vsel vm1, $0x1, v0;
	v55 =	vsel vm3, $0x1, v0;
	v50 =	vadd.s32 v54, v50;
	(pc) =	sbr.rel @p0 .LBB2_2-.Ltmp0, $4  }
0x44: {  	v56 =	vsel vm0, $0x1, v0;
	v54 =	vsel vm4, $0x1, v0;
	v50 =	vshll.u32 v50, $0x2  }
0x45: {  	vm1 =	vgt.s32 v43, $0x125FF;
	vm2 =	vgt.s32 v44, $0x125FF;
	v57 =	vadd.s32 v49, v50  }
0x46: {  	vm0 =	vgt.s32 v45, $0x125FF;
	v49 =	vadd.s32 v52, v51;
	v50 =	vadd.s32 v55, v53;
	[tilespmem:s22+$0x10] =	vst v57  }
0x47: {  	v52 =	vsel vm1, $0x1, v0;
	v53 =	vsel vm2, $0x1, v0;
	v51 =	vadd.s32 v56, v54;
	s22 =	sadd.s32 $0x40, s22  }
0x48: {  	v49 =	vadd.s32 v52, v49  }
0x49: {  	v50 =	vadd.s32 v53, v50;
	v57 =	vsel vm0, $0x1, v0;
	v58 =	vmul.u32 $0x3FFF9E00, v49  }
0x4a: {  	v41 =	vadd.s32 v41, v46;
	v54 =	vmul.u32 $0x3FFF9E00, v50;
	v51 =	vadd.s32 v57, v51  }
0x4b: {  	v40 =	vadd.s32 v40, v48;
	[tilespmem:s19+$0xFFFFFFE0] =	vst v41;
	v59 =	vmul.u32 $0x3FFF9E00, v51;
	v43 =	vadd.s32 v43, v58  }
0x4c: {  	v42 =	vadd.s32 v42, v47;
	[tilespmem:s19+$0xFFFFFFF0] =	vst v40;
	v60 =	vadd.s32 v44, v54;
	v43 =	vshll.u32 v43, $0x2  }
0x4d: {  	[tilespmem:s19+$0x0] =	vst v42;
	v61 =	vshll.u32 v60, $0x2;
	v62 =	vadd.s32 v45, v59;
	v63 =	vadd.s32 v49, v43  }
0x4e: {  	v41 =	vshll.u32 v62, $0x2;
	v40 =	vadd.s32 v50, v61;
	[tilespmem:s20+$0xFFFFFFE0] =	vst v63  }
0x4f: {  	v41 =	vadd.s32 v51, v41;
	[tilespmem:s20+$0xFFFFFFF0] =	vst v40  }
0x50: {  	s23 =	simm.s32 $0x200;
	[tilespmem:s20+$0x0] =	vst v41  }
0x51: {  	[tilespmem:s23], [sflag:$0x1] =	stream.indirect.gather [hbm4b:s3+s16], $0x20, s2, s16, $0xb8;
	[tilespmem:$0x15A00] =	vst v63  }
0x52: {  	s24 =	simm.s32 $0x1200  }
0x53: {  	[tilespmem:s24], [sflag:$0x1] =	stream.indirect.gather [hbm4b:s3+s16], $0x20, s16, s16, $0xb8;
	[tilespmem:$0x15A00] =	vst v63  }
0x54: {  	s25 =	simm.s32 $0x100;
	s26 =	simm.s32 $0x2200  }
0x55: {  	[tilespmem:s26], [sflag:$0x1] =	stream.indirect.gather [hbm4b:s3+s16], $0x20, s25, s16, $0xb8;
	[tilespmem:$0x15A00] =	vst v63  }
0x56: {  	s21 =	simm.s32 $0x180;
	s22 =	simm.s32 $0x3200  }
0x57: {  	[tilespmem:s22], [sflag:$0x1] =	stream.indirect.gather [hbm4b:s3+s16], $0x20, s21, s16, $0xb8;
	[tilespmem:$0x15A00] =	vst v63  }
0x58: {  	s23 =	simm.s32 $0x4200  }
0x59: {  	[tilespmem:s23], [sflag:$0x3] =	stream.linear.gather [hbm4b:s5+s2], $0x1000, $0x38;
	[tilespmem:$0x15A00] =	vst v63  }
0x5a: {  	_ =	swait.ge [sflag:s15], $0x1000  }
0x5b: {  	[sflag:s15] =	ssyncset.done $0x0  }
0x5c: {  	s24 =	simm.s32 $0x5200;
	[sflag:s15] =	ssyncadd.s32 $0xFFFFF000  }
0x5d: {  	[tilespmem:s24], [sflag:$0x3] =	stream.linear.gather [hbm4b:s6+s2], $0x200, $0x38;
	[tilespmem:$0x15A00] =	vst v63  }
0x5e: {  	_ =	swait.ge [sflag:s15], $0x200  }
0x5f: {  	[sflag:s15] =	ssyncset.done $0x0  }
0x60: {  	s25 =	simm.s32 $0x5400;
	[sflag:s15] =	ssyncadd.s32 $0xFFFFFE00  }
0x61: {  	[tilespmem:s25], [sflag:$0x3] =	stream.linear.gather [hbm4b:s7+s2], $0x200, $0x38;
	[tilespmem:$0x15A00] =	vst v63  }
0x62: {  	_ =	swait.ge [sflag:s15], $0x200  }
0x63: {  	[sflag:s15] =	ssyncset.done $0x0  }
0x64: {  	s26 =	simm.s32 $0x5600;
	[sflag:s15] =	ssyncadd.s32 $0xFFFFFE00  }
0x65: {  	[tilespmem:s26], [sflag:$0x3] =	stream.linear.gather [hbm4b:s8+s2], $0x200, $0x38;
	[tilespmem:$0x15A00] =	vst v63  }
0x66: {  	_ =	swait.ge [sflag:s15], $0x200  }
0x67: {  	[sflag:s15] =	ssyncset.done $0x0  }
0x68: {  	[sflag:s15] =	ssyncadd.s32 $0xFFFFFE00  }
0x69: {  	[tilespmem:s28], [sflag:$0x3] =	stream.linear.gather [hbm4b:s9+s2], $0x200, $0x38;
	[tilespmem:$0x15A00] =	vst v63  }
0x6a: {  	_ =	swait.ge [sflag:s15], $0x200  }
0x6b: {  	[sflag:s15] =	ssyncset.done $0x0  }
0x6c: {  	s19 =	simm.s32 $0x5C24;
	[sflag:s15] =	ssyncadd.s32 $0xFFFFFE00  }
0x6d: {  	[tilespmem:s19+$0xFFFFFE00] =	vst v1  }
0x6e: {  	[tilespmem:s19+$0x1A0] =	vst v1  }
0x6f: {  	[tilespmem:s19+$0x190] =	vst v1  }
0x70: {  	[tilespmem:s19+$0x180] =	vst v1  }
0x71: {  	[tilespmem:s19+$0x120] =	vst v1  }
0x72: {  	[tilespmem:s19+$0x110] =	vst v1  }
0x73: {  	[tilespmem:s19+$0x100] =	vst v1  }
0x74: {  	[tilespmem:s19+$0xA0] =	vst v1  }
0x75: {  	[tilespmem:s19+$0x90] =	vst v1  }
0x76: {  	[tilespmem:s19+$0x80] =	vst v1  }
0x77: {  	[tilespmem:s19+$0x20] =	vst v1  }
0x78: {  	[tilespmem:s19+$0x10] =	vst v1  }
0x79: {  	[tilespmem:s19+$0x0] =	vst v1  }
0x7a: {  	[tilespmem:s19+$0xFFFFFFA0] =	vst v1  }
0x7b: {  	[tilespmem:s19+$0xFFFFFF90] =	vst v1  }
0x7c: {  	[tilespmem:s19+$0xFFFFFF80] =	vst v1  }
0x7d: {  	[tilespmem:s19+$0xFFFFFF20] =	vst v1  }
0x7e: {  	[tilespmem:s19+$0xFFFFFF10] =	vst v1  }
0x7f: {  	[tilespmem:s19+$0xFFFFFF00] =	vst v1  }
0x80: {  	[tilespmem:s19+$0xFFFFFEA0] =	vst v1  }
0x81: {  	[tilespmem:s19+$0xFFFFFE90] =	vst v1  }
0x82: {  	[tilespmem:s19+$0xFFFFFE80] =	vst v1  }
0x83: {  	[tilespmem:s19+$0xFFFFFE20] =	vst v1  }
0x84: {  	[tilespmem:s19+$0xFFFFFE10] =	vst v1  }
0x85: {  	[tilespmem:s19+$0xFFFFFE30] =	vst v1  }
0x86: {  	[tilespmem:s19+$0x130] =	vst v1  }
0x87: {  	[tilespmem:s19+$0x1B0] =	vst v1  }
0x88: {  	[tilespmem:s19+$0xFFFFFF30] =	vst v1  }
0x89: {  	[tilespmem:s19+$0x30] =	vst v1  }
0x8a: {  	[tilespmem:s19+$0xB0] =	vst v1  }
0x8b: {  	[tilespmem:s19+$0xFFFFFFB0] =	vst v1  }
0x8c: {  	[tilespmem:s19+$0xFFFFFEB0] =	vst v1  }
0x8d: {  	[tilespmem:s19+$0x1B1] =	vst v1  }
0x8e: {  	[tilespmem:s19+$0x131] =	vst v1  }
0x8f: {  	[tilespmem:s19+$0xB1] =	vst v1  }
0x90: {  	[tilespmem:s19+$0x31] =	vst v1  }
0x91: {  	[tilespmem:s19+$0xFFFFFF31] =	vst v1  }
0x92: {  	[tilespmem:s19+$0xFFFFFFB1] =	vst v1  }
0x93: {  	s21 =	simm.s32 $0x0;
	[tilespmem:s19+$0xFFFFFEB1] =	vst v1  }
.LBB2_4:
0x94: {  	s21 =	sadd.s32 $0x8, s21;
	[tilespmem:s19+$0xFFFFFE31] =	vst v1;
	s19 =	sadd.s32 $0x400, s19;
	s20 =	simm.s32 $0x4240  }
0x95: {  	[tilespmem:s19+$0xFFFFFE00] =	vst v1;
	p0 =	slt.u32 s21, $0x78  }
0x96: {  	[tilespmem:s19+$0x1A0] =	vst v1  }
0x97: {  	[tilespmem:s19+$0x190] =	vst v1  }
0x98: {  	[tilespmem:s19+$0x180] =	vst v1  }
0x99: {  	[tilespmem:s19+$0x120] =	vst v1  }
0x9a: {  	[tilespmem:s19+$0x110] =	vst v1  }
0x9b: {  	[tilespmem:s19+$0x100] =	vst v1  }
0x9c: {  	[tilespmem:s19+$0xA0] =	vst v1  }
0x9d: {  	[tilespmem:s19+$0x90] =	vst v1  }
0x9e: {  	[tilespmem:s19+$0x80] =	vst v1  }
0x9f: {  	[tilespmem:s19+$0x20] =	vst v1  }
0xa0: {  	[tilespmem:s19+$0x10] =	vst v1  }
0xa1: {  	[tilespmem:s19+$0x0] =	vst v1  }
0xa2: {  	[tilespmem:s19+$0xFFFFFFA0] =	vst v1  }
0xa3: {  	[tilespmem:s19+$0xFFFFFF90] =	vst v1  }
0xa4: {  	[tilespmem:s19+$0xFFFFFF80] =	vst v1  }
0xa5: {  	[tilespmem:s19+$0xFFFFFF20] =	vst v1  }
0xa6: {  	[tilespmem:s19+$0xFFFFFF10] =	vst v1  }
0xa7: {  	[tilespmem:s19+$0xFFFFFF00] =	vst v1  }
0xa8: {  	[tilespmem:s19+$0xFFFFFEA0] =	vst v1  }
0xa9: {  	[tilespmem:s19+$0xFFFFFE90] =	vst v1  }
0xaa: {  	[tilespmem:s19+$0xFFFFFE80] =	vst v1  }
0xab: {  	[tilespmem:s19+$0xFFFFFE20] =	vst v1  }
0xac: {  	[tilespmem:s19+$0xFFFFFE10] =	vst v1  }
0xad: {  	[tilespmem:s19+$0xFFFFFE30] =	vst v1  }
0xae: {  	[tilespmem:s19+$0x130] =	vst v1  }
0xaf: {  	[tilespmem:s19+$0x1B0] =	vst v1  }
0xb0: {  	[tilespmem:s19+$0x1B1] =	vst v1  }
0xb1: {  	[tilespmem:s19+$0x131] =	vst v1  }
0xb2: {  	[tilespmem:s19+$0xFFFFFF30] =	vst v1  }
0xb3: {  	[tilespmem:s19+$0x30] =	vst v1  }
0xb4: {  	[tilespmem:s19+$0xB0] =	vst v1  }
0xb5: {  	[tilespmem:s19+$0xB1] =	vst v1  }
0xb6: {  	[tilespmem:s19+$0x31] =	vst v1  }
.Ltmp1:
0xb7: {  	[tilespmem:s19+$0xFFFFFF31] =	vst v1;
	(pc) =	sbr.rel @p0 .LBB2_4-.Ltmp1, $4  }
0xb8: {  	[tilespmem:s19+$0xFFFFFFB0] =	vst v1  }
0xb9: {  	[tilespmem:s19+$0xFFFFFFB1] =	vst v1  }
0xba: {  	[tilespmem:s19+$0xFFFFFEB0] =	vst v1  }
0xbb: {  	[tilespmem:s19+$0xFFFFFEB1] =	vst v1  }
0xbc: {  	[tilespmem:s19+$0xFFFFFE31] =	vst v1  }
0xbd: {  	v40 =	vld [tilespmem:s20+$0x30]  }
0xbe: {  	v41 =	vld [tilespmem:s20+$0xFFFFFFD0]  }
0xbf: {  	v42 =	vld [tilespmem:s20+$0xFFFFFFE0]  }
0xc0: {  	v43 =	vld [tilespmem:s20+$0xFFFFFFF0]  }
0xc1: {  	v44 =	vld [tilespmem:s20+$0x0]  }
0xc2: {  	v45 =	vld [tilespmem:s20+$0x10];
	v40 =	vadd.s32 v10, v40  }
0xc3: {  	v47 =	vld [tilespmem:s20+$0x20];
	v46 =	vadd.s32 v4, v41  }
0xc4: {  	s26 =	simm.s32 $0x42C0;
	v48 =	vld [tilespmem:s20+$0xFFFFFFC0];
	v42 =	vadd.s32 v5, v42  }
0xc5: {  	v49 =	vld [tilespmem:s26+$0x30];
	v43 =	vadd.s32 v6, v43  }
0xc6: {  	v50 =	vld [tilespmem:s26+$0xFFFFFFD0];
	v51 =	vadd.s32 v7, v44  }
0xc7: {  	v52 =	vld [tilespmem:s26+$0xFFFFFFE0];
	v53 =	vadd.s32 v8, v45;
	[tilespmem:v40+s29+$0x0] =	vst.idx.msk $0xffff, v3  }
0xc8: {  	v41 =	vld [tilespmem:s26+$0xFFFFFFF0];
	[tilespmem:v46+s29+$0x0] =	vst.idx.msk $0xffff, v3;
	v46 =	vadd.s32 v9, v47  }
0xc9: {  	v45 =	vadd.s32 v2, v48;
	v40 =	vld [tilespmem:s26+$0x0];
	[tilespmem:v42+s29+$0x0] =	vst.idx.msk $0xffff, v3  }
0xca: {  	v44 =	vadd.s32 v10, v49;
	v42 =	vld [tilespmem:s26+$0x10];
	[tilespmem:v43+s29+$0x0] =	vst.idx.msk $0xffff, v3  }
0xcb: {  	v49 =	vadd.s32 v4, v50;
	v43 =	vld [tilespmem:s26+$0x20];
	[tilespmem:v51+s29+$0x0] =	vst.idx.msk $0xffff, v3  }
0xcc: {  	s19 =	simm.s32 $0x8;
	s20 =	simm.s32 $0x4340;
	v48 =	vadd.s32 v5, v52;
	v47 =	vld [tilespmem:s26+$0xFFFFFFC0];
	[tilespmem:v53+s29+$0x0] =	vst.idx.msk $0xffff, v3  }
.LBB2_6:
0xcd: {  	v50 =	vld [tilespmem:s20+$0x30];
	s19 =	sadd.s32 $0x8, s19;
	v51 =	vadd.s32 v6, v41;
	[tilespmem:v46+s29+$0x0] =	vst.idx.msk $0xffff, v3  }
0xce: {  	v52 =	vld [tilespmem:s20+$0xFFFFFFD0];
	p0 =	slt.u32 s19, $0x38;
	v53 =	vadd.s32 v7, v40;
	[tilespmem:v45+s29+$0x0] =	vst.idx.msk $0xffff, v3  }
0xcf: {  	v54 =	vld [tilespmem:s20+$0xFFFFFFE0];
	v55 =	vadd.s32 v8, v42;
	[tilespmem:v44+s29+$0x0] =	vst.idx.msk $0xffff, v3  }
.Ltmp2:
0xd0: {  	v41 =	vld [tilespmem:s20+$0xFFFFFFF0];
	[tilespmem:v49+s29+$0x0] =	vst.idx.msk $0xffff, v3;
	v46 =	vadd.s32 v9, v43;
	(pc) =	sbr.rel @p0 .LBB2_6-.Ltmp2, $4  }
0xd1: {  	v40 =	vld [tilespmem:s20+$0x0];
	v45 =	vadd.s32 v2, v47;
	[tilespmem:v48+s29+$0x0] =	vst.idx.msk $0xffff, v3  }
0xd2: {  	v42 =	vld [tilespmem:s20+$0x10];
	v44 =	vadd.s32 v10, v50;
	[tilespmem:v51+s29+$0x0] =	vst.idx.msk $0xffff, v3  }
0xd3: {  	v49 =	vadd.s32 v4, v52;
	v43 =	vld [tilespmem:s20+$0x20];
	[tilespmem:v53+s29+$0x0] =	vst.idx.msk $0xffff, v3  }
0xd4: {  	v47 =	vld [tilespmem:s20+$0xFFFFFFC0];
	v48 =	vadd.s32 v5, v54;
	s20 =	sadd.s32 $0x80, s20;
	[tilespmem:v55+s29+$0x0] =	vst.idx.msk $0xffff, v3  }
0xd5: {  	_ =	sdelay $0x3  }
0xd6: {  	v41 =	vadd.s32 v6, v41;
	[tilespmem:v46+s29+$0x0] =	vst.idx.msk $0xffff, v3  }
0xd7: {  	[tilespmem:v45+s29+$0x0] =	vst.idx.msk $0xffff, v3;
	v40 =	vadd.s32 v7, v40  }
0xd8: {  	[tilespmem:v44+s29+$0x0] =	vst.idx.msk $0xffff, v3;
	v42 =	vadd.s32 v8, v42  }
0xd9: {  	[tilespmem:v49+s29+$0x0] =	vst.idx.msk $0xffff, v3;
	v43 =	vadd.s32 v9, v43  }
0xda: {  	[tilespmem:v48+s29+$0x0] =	vst.idx.msk $0xffff, v3;
	v63 =	vadd.s32 v2, v47  }
0xdb: {  	[tilespmem:v41+s29+$0x0] =	vst.idx.msk $0xffff, v3  }
0xdc: {  	[tilespmem:v40+s29+$0x0] =	vst.idx.msk $0xffff, v3  }
0xdd: {  	[tilespmem:v42+s29+$0x0] =	vst.idx.msk $0xffff, v3  }
0xde: {  	[tilespmem:v43+s29+$0x0] =	vst.idx.msk $0xffff, v3  }
0xdf: {  	s19 =	simm.s32 $0x0;
	p0 =	por $0x1, $0x1;
	[tilespmem:v63+s29+$0x0] =	vst.idx.msk $0xffff, v3  }
.LBB2_8:
0xe0: {  	s20 =	sshll.u32 s19, $0x4;
	s21 =	sor.u32 $0x1, s19  }
0xe1: {  	s23 =	sor.u32 $0x2, s19;
	v40 =	vld [tilespmem:s20+$0x5200];
	s22 =	sshll.u32 s21, $0x4  }
0xe2: {  	s25 =	sor.u32 $0x3, s19;
	s24 =	sshll.u32 s23, $0x4;
	v41 =	vld [tilespmem:s22+$0x5200]  }
0xe3: {  	s26 =	sshll.u32 s25, $0x4;
	v42 =	vld [tilespmem:s24+$0x5200]  }
0xe4: {  	s19 =	sshll.u32 s19, $0xB;
	v43 =	vld [tilespmem:s26+$0x5200]  }
0xe5: {  	v44 =	vor.u32 s19, v11;
	s21 =	sshll.u32 s21, $0xB  }
0xe6: {  	s23 =	sshll.u32 s23, $0xB;
	v45 =	vor.u32 s21, v11;
	v40 =	vadd.f32 $-4.500000000e+01, v40  }
0xe7: {  	s25 =	sshll.u32 s25, $0xB;
	v46 =	vor.u32 s23, v11;
	v41 =	vadd.f32 $-4.500000000e+01, v41  }
0xe8: {  	v47 =	vor.u32 s25, v11;
	v42 =	vadd.f32 $-4.500000000e+01, v42;
	v40 =	vmul.f32 v40, v36  }
0xe9: {  	v43 =	vadd.f32 $-4.500000000e+01, v43;
	v41 =	vmul.f32 v41, v36  }
0xea: {  	v48 =	vmul.f32 v42, v36;
	[tilespmem:v44+s29+$0x0] =	vst.idx.msk $0xffff, v40  }
0xeb: {  	v50 =	vor.u32 s19, v12;
	v51 =	vmul.f32 v43, v36;
	v49 =	vld [tilespmem:s20+$0x5400];
	[tilespmem:v45+s29+$0x0] =	vst.idx.msk $0xffff, v41  }
0xec: {  	v53 =	vor.u32 s21, v12;
	[tilespmem:v46+s29+$0x0] =	vst.idx.msk $0xffff, v48;
	v52 =	vld [tilespmem:s22+$0x5400]  }
0xed: {  	v54 =	vor.u32 s23, v12;
	[tilespmem:v47+s29+$0x0] =	vst.idx.msk $0xffff, v51;
	v40 =	vld [tilespmem:s24+$0x5400]  }
0xee: {  	v55 =	vor.u32 s25, v12;
	v41 =	vld [tilespmem:s26+$0x5400];
	_ =	sdelay $0x1  }
0xef: {  	[tilespmem:v50+s29+$0x0] =	vst.idx.msk $0xffff, v49  }
0xf0: {  	v56 =	vor.u32 s19, v13;
	v42 =	vld [tilespmem:s20+$0x5600];
	[tilespmem:v53+s29+$0x0] =	vst.idx.msk $0xffff, v52  }
0xf1: {  	v57 =	vor.u32 s21, v13;
	[tilespmem:v54+s29+$0x0] =	vst.idx.msk $0xffff, v40;
	v43 =	vld [tilespmem:s22+$0x5600]  }
0xf2: {  	v58 =	vor.u32 s23, v13;
	[tilespmem:v55+s29+$0x0] =	vst.idx.msk $0xffff, v41;
	v40 =	vld [tilespmem:s24+$0x5600]  }
0xf3: {  	v59 =	vor.u32 s25, v13;
	v41 =	vld [tilespmem:s26+$0x5600];
	_ =	sdelay $0x1  }
0xf4: {  	[tilespmem:v56+s29+$0x0] =	vst.idx.msk $0xffff, v42  }
0xf5: {  	v60 =	vor.u32 s19, v14;
	v42 =	vld [tilespmem:s20+$0x5800];
	[tilespmem:v57+s29+$0x0] =	vst.idx.msk $0xffff, v43  }
0xf6: {  	v61 =	vor.u32 s21, v14;
	[tilespmem:v58+s29+$0x0] =	vst.idx.msk $0xffff, v40;
	v43 =	vld [tilespmem:s22+$0x5800]  }
0xf7: {  	v62 =	vor.u32 s23, v14;
	[tilespmem:v59+s29+$0x0] =	vst.idx.msk $0xffff, v41;
	v40 =	vld [tilespmem:s24+$0x5800]  }
0xf8: {  	p1 =	por p0, p0;
	v63 =	vor.u32 s25, v14;
	v41 =	vld [tilespmem:s26+$0x5800]  }
.Ltmp3:
0xf9: {  	_ = 	snop;
	(pc) =	sbr.rel @p1 .LBB2_8-.Ltmp3, $4  }
0xfa: {  	[tilespmem:v60+s29+$0x0] =	vst.idx.msk $0xffff, v42  }
0xfb: {  	[tilespmem:v61+s29+$0x0] =	vst.idx.msk $0xffff, v43  }
0xfc: {  	[tilespmem:v62+s29+$0x0] =	vst.idx.msk $0xffff, v40  }
0xfd: {  	p0 =	por $0x0, $0x0;
	s19 =	simm.s32 $0x4;
	[tilespmem:v63+s29+$0x0] =	vst.idx.msk $0xffff, v41  }
0xfe: {  	_ =	swait.ge [sflag:s30], $0x1000  }
0xff: {  	[sflag:s30] =	ssyncset.done $0x0  }
0x100: {  	s21 =	simm.s32 $0x280;
	[sflag:s30] =	ssyncadd.s32 $0xFFFFF000  }
0x101: {  	v40 =	vld [tilespmem:s21+$0x60]  }
0x102: {  	v41 =	vld [tilespmem:s21+$0xFFFFFFA0]  }
0x103: {  	v42 =	vld [tilespmem:s21+$0xFFFFFFC0]  }
0x104: {  	v43 =	vld [tilespmem:s21+$0xFFFFFFE0]  }
0x105: {  	s19 =	simm.s32 $0x5C00;
	v44 =	vld [tilespmem:s21+$0x0]  }
0x106: {  	v45 =	vld [tilespmem:s21+$0x20];
	[tilespmem:s19+$0x180] =	vst v40  }
0x107: {  	v62 =	vld [tilespmem:s21+$0x40];
	[tilespmem:s19+$0xFFFFFE80] =	vst v41  }
0x108: {  	v46 =	vld [tilespmem:s21+$0xFFFFFF80];
	[tilespmem:s19+$0xFFFFFF00] =	vst v42  }
0x109: {  	[tilespmem:s19+$0xFFFFFF80] =	vst v43;
	v61 =	vld [tilespmem:s21+$0x70]  }
0x10a: {  	[tilespmem:s19+$0x0] =	vst v44;
	v47 =	vld [tilespmem:s21+$0xFFFFFFB0]  }
0x10b: {  	[tilespmem:s19+$0x80] =	vst v45;
	v63 =	vld [tilespmem:s21+$0xFFFFFFD0]  }
0x10c: {  	[tilespmem:s19+$0x100] =	vst v62;
	v40 =	vld [tilespmem:s21+$0xFFFFFFF0]  }
0x10d: {  	[tilespmem:s19+$0xFFFFFE00] =	vst v46;
	v41 =	vld [tilespmem:s21+$0x10]  }
0x10e: {  	v43 =	vld [tilespmem:s21+$0x30];
	[tilespmem:s19+$0x190] =	vst v61  }
0x10f: {  	v42 =	vld [tilespmem:s21+$0xFFFFFF90];
	[tilespmem:s19+$0xFFFFFE90] =	vst v47  }
0x110: {  	s20 =	simm.s32 $0x0;
	v44 =	vld [tilespmem:s21+$0x50];
	s21 =	simm.s32 $0x380;
	[tilespmem:s19+$0xFFFFFF10] =	vst v63  }
.LBB2_10:
0x111: {  	v45 =	vld [tilespmem:s21+$0x60];
	s20 =	sadd.s32 $0x8, s20;
	[tilespmem:s19+$0xFFFFFF90] =	vst v40  }
0x112: {  	v40 =	vld [tilespmem:s21+$0xFFFFFFA0];
	p0 =	slt.u32 s20, $0x78;
	[tilespmem:s19+$0x10] =	vst v41  }
0x113: {  	v41 =	vld [tilespmem:s21+$0xFFFFFFC0];
	[tilespmem:s19+$0x90] =	vst v43  }
0x114: {  	v43 =	vld [tilespmem:s21+$0xFFFFFFE0];
	[tilespmem:s19+$0xFFFFFE10] =	vst v42  }
0x115: {  	v42 =	vld [tilespmem:s21+$0x0];
	[tilespmem:s19+$0x110] =	vst v44;
	s19 =	sadd.s32 $0x400, s19  }
0x116: {  	v44 =	vld [tilespmem:s21+$0x20];
	[tilespmem:s19+$0x180] =	vst v45  }
0x117: {  	[tilespmem:s19+$0xFFFFFE80] =	vst v40;
	v45 =	vld [tilespmem:s21+$0x70]  }
0x118: {  	[tilespmem:s19+$0xFFFFFF00] =	vst v41;
	v46 =	vld [tilespmem:s21+$0x40]  }
0x119: {  	v47 =	vld [tilespmem:s21+$0xFFFFFF80];
	[tilespmem:s19+$0xFFFFFF80] =	vst v43  }
0x11a: {  	v48 =	vld [tilespmem:s21+$0xFFFFFFB0];
	[tilespmem:s19+$0x0] =	vst v42  }
0x11b: {  	v49 =	vld [tilespmem:s21+$0xFFFFFFD0];
	[tilespmem:s19+$0x80] =	vst v44  }
.Ltmp4:
0x11c: {  	v40 =	vld [tilespmem:s21+$0xFFFFFFF0];
	[tilespmem:s19+$0x190] =	vst v45;
	(pc) =	sbr.rel @p0 .LBB2_10-.Ltmp4, $4  }
0x11d: {  	v41 =	vld [tilespmem:s21+$0x10];
	[tilespmem:s19+$0x100] =	vst v46  }
0x11e: {  	[tilespmem:s19+$0xFFFFFE00] =	vst v47;
	v43 =	vld [tilespmem:s21+$0x30]  }
0x11f: {  	v42 =	vld [tilespmem:s21+$0xFFFFFF90];
	[tilespmem:s19+$0xFFFFFE90] =	vst v48  }
0x120: {  	[tilespmem:s19+$0xFFFFFF10] =	vst v49;
	v44 =	vld [tilespmem:s21+$0x50];
	s21 =	sadd.s32 $0x100, s21  }
0x121: {  	[tilespmem:s19+$0xFFFFFF90] =	vst v40  }
0x122: {  	[tilespmem:s19+$0x10] =	vst v41  }
0x123: {  	[tilespmem:s19+$0x90] =	vst v43  }
0x124: {  	[tilespmem:s19+$0xFFFFFE10] =	vst v42  }
0x125: {  	[tilespmem:s19+$0x110] =	vst v44;
	s19 =	simm.s32 $0x9A24  }
0x126: {  	[hbm4b:s10+s2] =	stream.linear.scatter [tilespmem:s29], [sflag:$0x2], $0x4000, $0x38;
	[tilespmem:$0x15A00] =	vst v63  }
0x127: {  	[tilespmem:s19+$0x0] =	vst v1  }
0x128: {  	[tilespmem:s19+$0x3A0] =	vst v1  }
0x129: {  	[tilespmem:s19+$0x390] =	vst v1  }
0x12a: {  	[tilespmem:s19+$0x380] =	vst v1  }
0x12b: {  	[tilespmem:s19+$0x320] =	vst v1  }
0x12c: {  	[tilespmem:s19+$0x310] =	vst v1  }
0x12d: {  	[tilespmem:s19+$0x300] =	vst v1  }
0x12e: {  	[tilespmem:s19+$0x2A0] =	vst v1  }
0x12f: {  	[tilespmem:s19+$0x290] =	vst v1  }
0x130: {  	[tilespmem:s19+$0x280] =	vst v1  }
0x131: {  	[tilespmem:s19+$0x220] =	vst v1  }
0x132: {  	[tilespmem:s19+$0x210] =	vst v1  }
0x133: {  	[tilespmem:s19+$0x200] =	vst v1  }
0x134: {  	[tilespmem:s19+$0x1A0] =	vst v1  }
0x135: {  	[tilespmem:s19+$0x190] =	vst v1  }
0x136: {  	[tilespmem:s19+$0x180] =	vst v1  }
0x137: {  	[tilespmem:s19+$0x120] =	vst v1  }
0x138: {  	[tilespmem:s19+$0x110] =	vst v1  }
0x139: {  	[tilespmem:s19+$0x100] =	vst v1  }
0x13a: {  	[tilespmem:s19+$0xA0] =	vst v1  }
0x13b: {  	[tilespmem:s19+$0x90] =	vst v1  }
0x13c: {  	[tilespmem:s19+$0x80] =	vst v1  }
0x13d: {  	[tilespmem:s19+$0x20] =	vst v1  }
0x13e: {  	[tilespmem:s19+$0x10] =	vst v1  }
0x13f: {  	[tilespmem:s19+$0x30] =	vst v1  }
0x140: {  	[tilespmem:s19+$0x330] =	vst v1  }
0x141: {  	[tilespmem:s19+$0x3B0] =	vst v1  }
0x142: {  	[tilespmem:s19+$0x130] =	vst v1  }
0x143: {  	[tilespmem:s19+$0x230] =	vst v1  }
0x144: {  	[tilespmem:s19+$0x2B0] =	vst v1  }
0x145: {  	[tilespmem:s19+$0x1B0] =	vst v1  }
0x146: {  	[tilespmem:s19+$0xB0] =	vst v1  }
0x147: {  	[tilespmem:s19+$0x3B1] =	vst v1  }
0x148: {  	[tilespmem:s19+$0x331] =	vst v1  }
0x149: {  	[tilespmem:s19+$0x2B1] =	vst v1  }
0x14a: {  	[tilespmem:s19+$0x231] =	vst v1  }
0x14b: {  	[tilespmem:s19+$0x131] =	vst v1  }
0x14c: {  	[tilespmem:s19+$0x1B1] =	vst v1  }
0x14d: {  	s21 =	simm.s32 $0x0;
	[tilespmem:s19+$0xB1] =	vst v1  }
.LBB2_12:
0x14e: {  	s21 =	sadd.s32 $0x8, s21;
	[tilespmem:s19+$0x31] =	vst v1;
	s19 =	sadd.s32 $0x400, s19;
	s20 =	simm.s32 $0x4670  }
0x14f: {  	[tilespmem:s19+$0x0] =	vst v1;
	p0 =	slt.u32 s21, $0x78  }
0x150: {  	[tilespmem:s19+$0x3A0] =	vst v1  }
0x151: {  	[tilespmem:s19+$0x390] =	vst v1  }
0x152: {  	[tilespmem:s19+$0x380] =	vst v1  }
0x153: {  	[tilespmem:s19+$0x320] =	vst v1  }
0x154: {  	[tilespmem:s19+$0x310] =	vst v1  }
0x155: {  	[tilespmem:s19+$0x300] =	vst v1  }
0x156: {  	[tilespmem:s19+$0x2A0] =	vst v1  }
0x157: {  	[tilespmem:s19+$0x290] =	vst v1  }
0x158: {  	[tilespmem:s19+$0x280] =	vst v1  }
0x159: {  	[tilespmem:s19+$0x220] =	vst v1  }
0x15a: {  	[tilespmem:s19+$0x210] =	vst v1  }
0x15b: {  	[tilespmem:s19+$0x200] =	vst v1  }
0x15c: {  	[tilespmem:s19+$0x1A0] =	vst v1  }
0x15d: {  	[tilespmem:s19+$0x190] =	vst v1  }
0x15e: {  	[tilespmem:s19+$0x180] =	vst v1  }
0x15f: {  	[tilespmem:s19+$0x120] =	vst v1  }
0x160: {  	[tilespmem:s19+$0x110] =	vst v1  }
0x161: {  	[tilespmem:s19+$0x100] =	vst v1  }
0x162: {  	[tilespmem:s19+$0xA0] =	vst v1  }
0x163: {  	[tilespmem:s19+$0x90] =	vst v1  }
0x164: {  	[tilespmem:s19+$0x80] =	vst v1  }
0x165: {  	[tilespmem:s19+$0x20] =	vst v1  }
0x166: {  	[tilespmem:s19+$0x10] =	vst v1  }
0x167: {  	[tilespmem:s19+$0x30] =	vst v1  }
0x168: {  	[tilespmem:s19+$0x330] =	vst v1  }
0x169: {  	[tilespmem:s19+$0x3B0] =	vst v1  }
0x16a: {  	[tilespmem:s19+$0x3B1] =	vst v1  }
0x16b: {  	[tilespmem:s19+$0x331] =	vst v1  }
0x16c: {  	[tilespmem:s19+$0x130] =	vst v1  }
0x16d: {  	[tilespmem:s19+$0x230] =	vst v1  }
0x16e: {  	[tilespmem:s19+$0x2B0] =	vst v1  }
0x16f: {  	[tilespmem:s19+$0x2B1] =	vst v1  }
0x170: {  	[tilespmem:s19+$0x231] =	vst v1  }
.Ltmp5:
0x171: {  	[tilespmem:s19+$0x131] =	vst v1;
	(pc) =	sbr.rel @p0 .LBB2_12-.Ltmp5, $4  }
0x172: {  	[tilespmem:s19+$0x1B0] =	vst v1  }
0x173: {  	[tilespmem:s19+$0x1B1] =	vst v1  }
0x174: {  	[tilespmem:s19+$0xB0] =	vst v1  }
0x175: {  	[tilespmem:s19+$0xB1] =	vst v1  }
0x176: {  	[tilespmem:s19+$0x31] =	vst v1  }
0x177: {  	v40 =	vld [tilespmem:s20+$0x0]  }
0x178: {  	v41 =	vld [tilespmem:s20+$0xFFFFFFA0]  }
0x179: {  	v42 =	vld [tilespmem:s20+$0xFFFFFFB0]  }
0x17a: {  	v43 =	vld [tilespmem:s20+$0xFFFFFFC0]  }
0x17b: {  	v44 =	vld [tilespmem:s20+$0xFFFFFFD0]  }
0x17c: {  	v45 =	vld [tilespmem:s20+$0xFFFFFFE0];
	v40 =	vadd.s32 v22, v40  }
0x17d: {  	v47 =	vld [tilespmem:s20+$0xFFFFFFF0];
	v46 =	vadd.s32 v16, v41  }
0x17e: {  	s26 =	simm.s32 $0x46F0;
	v48 =	vld [tilespmem:s20+$0xFFFFFF90];
	v42 =	vadd.s32 v17, v42  }
0x17f: {  	v49 =	vld [tilespmem:s26+$0x0];
	v43 =	vadd.s32 v18, v43  }
0x180: {  	v50 =	vld [tilespmem:s26+$0xFFFFFFA0];
	v51 =	vadd.s32 v19, v44  }
0x181: {  	v52 =	vld [tilespmem:s26+$0xFFFFFFB0];
	v53 =	vadd.s32 v20, v45;
	[tilespmem:v40+s29+$0x0] =	vst.idx.msk $0xffff, v3  }
0x182: {  	v41 =	vld [tilespmem:s26+$0xFFFFFFC0];
	[tilespmem:v46+s29+$0x0] =	vst.idx.msk $0xffff, v3;
	v46 =	vadd.s32 v21, v47  }
0x183: {  	v45 =	vadd.s32 v15, v48;
	v40 =	vld [tilespmem:s26+$0xFFFFFFD0];
	[tilespmem:v42+s29+$0x0] =	vst.idx.msk $0xffff, v3  }
0x184: {  	v44 =	vadd.s32 v22, v49;
	v42 =	vld [tilespmem:s26+$0xFFFFFFE0];
	[tilespmem:v43+s29+$0x0] =	vst.idx.msk $0xffff, v3  }
0x185: {  	v49 =	vadd.s32 v16, v50;
	v43 =	vld [tilespmem:s26+$0xFFFFFFF0];
	[tilespmem:v51+s29+$0x0] =	vst.idx.msk $0xffff, v3  }
0x186: {  	s19 =	simm.s32 $0x8;
	s20 =	simm.s32 $0x4770;
	v48 =	vadd.s32 v17, v52;
	v47 =	vld [tilespmem:s26+$0xFFFFFF90];
	[tilespmem:v53+s29+$0x0] =	vst.idx.msk $0xffff, v3  }
.LBB2_14:
0x187: {  	v50 =	vld [tilespmem:s20+$0x0];
	s19 =	sadd.s32 $0x8, s19;
	v51 =	vadd.s32 v18, v41;
	[tilespmem:v46+s29+$0x0] =	vst.idx.msk $0xffff, v3  }
0x188: {  	v52 =	vld [tilespmem:s20+$0xFFFFFFA0];
	p0 =	slt.u32 s19, $0x38;
	v53 =	vadd.s32 v19, v40;
	[tilespmem:v45+s29+$0x0] =	vst.idx.msk $0xffff, v3  }
0x189: {  	v54 =	vld [tilespmem:s20+$0xFFFFFFB0];
	v55 =	vadd.s32 v20, v42;
	[tilespmem:v44+s29+$0x0] =	vst.idx.msk $0xffff, v3  }
.Ltmp6:
0x18a: {  	v41 =	vld [tilespmem:s20+$0xFFFFFFC0];
	[tilespmem:v49+s29+$0x0] =	vst.idx.msk $0xffff, v3;
	v46 =	vadd.s32 v21, v43;
	(pc) =	sbr.rel @p0 .LBB2_14-.Ltmp6, $4  }
0x18b: {  	v40 =	vld [tilespmem:s20+$0xFFFFFFD0];
	v45 =	vadd.s32 v15, v47;
	[tilespmem:v48+s29+$0x0] =	vst.idx.msk $0xffff, v3  }
0x18c: {  	v42 =	vld [tilespmem:s20+$0xFFFFFFE0];
	v44 =	vadd.s32 v22, v50;
	[tilespmem:v51+s29+$0x0] =	vst.idx.msk $0xffff, v3  }
0x18d: {  	v49 =	vadd.s32 v16, v52;
	v43 =	vld [tilespmem:s20+$0xFFFFFFF0];
	[tilespmem:v53+s29+$0x0] =	vst.idx.msk $0xffff, v3  }
0x18e: {  	v47 =	vld [tilespmem:s20+$0xFFFFFF90];
	v48 =	vadd.s32 v17, v54;
	s20 =	sadd.s32 $0x80, s20;
	[tilespmem:v55+s29+$0x0] =	vst.idx.msk $0xffff, v3  }
0x18f: {  	_ =	sdelay $0x3  }
0x190: {  	v41 =	vadd.s32 v18, v41;
	[tilespmem:v46+s29+$0x0] =	vst.idx.msk $0xffff, v3  }
0x191: {  	[tilespmem:v45+s29+$0x0] =	vst.idx.msk $0xffff, v3;
	v40 =	vadd.s32 v19, v40  }
0x192: {  	[tilespmem:v44+s29+$0x0] =	vst.idx.msk $0xffff, v3;
	v42 =	vadd.s32 v20, v42  }
0x193: {  	[tilespmem:v49+s29+$0x0] =	vst.idx.msk $0xffff, v3;
	v43 =	vadd.s32 v21, v43  }
0x194: {  	[tilespmem:v48+s29+$0x0] =	vst.idx.msk $0xffff, v3;
	v63 =	vadd.s32 v15, v47  }
0x195: {  	[tilespmem:v41+s29+$0x0] =	vst.idx.msk $0xffff, v3  }
0x196: {  	[tilespmem:v40+s29+$0x0] =	vst.idx.msk $0xffff, v3  }
0x197: {  	[tilespmem:v42+s29+$0x0] =	vst.idx.msk $0xffff, v3  }
0x198: {  	[tilespmem:v43+s29+$0x0] =	vst.idx.msk $0xffff, v3  }
0x199: {  	s19 =	simm.s32 $0x0;
	p0 =	por $0x1, $0x1;
	[tilespmem:v63+s29+$0x0] =	vst.idx.msk $0xffff, v3  }
.LBB2_16:
0x19a: {  	v40 =	vld [tilespmem:s19+$0x5280]  }
0x19b: {  	v41 =	vld [tilespmem:s19+$0x5290]  }
0x19c: {  	s20 =	sshll.u32 s19, $0x7;
	v42 =	vld [tilespmem:s19+$0x52A0]  }
0x19d: {  	v43 =	vld [tilespmem:s19+$0x52B0];
	s21 =	sor.u32 $0x4000, s20  }
0x19e: {  	s22 =	sor.u32 $0x4800, s20;
	v44 =	vor.u32 s21, v11  }
0x19f: {  	s23 =	sor.u32 $0x5000, s20;
	v45 =	vor.u32 s22, v11;
	v40 =	vadd.f32 $-4.500000000e+01, v40  }
0x1a0: {  	s20 =	sor.u32 $0x5800, s20;
	v46 =	vor.u32 s23, v11;
	v41 =	vadd.f32 $-4.500000000e+01, v41  }
0x1a1: {  	v47 =	vor.u32 s20, v11;
	v42 =	vadd.f32 $-4.500000000e+01, v42;
	v40 =	vmul.f32 v40, v36  }
0x1a2: {  	v43 =	vadd.f32 $-4.500000000e+01, v43;
	v41 =	vmul.f32 v41, v36  }
0x1a3: {  	v48 =	vmul.f32 v42, v36;
	[tilespmem:v44+s29+$0x0] =	vst.idx.msk $0xffff, v40  }
0x1a4: {  	v50 =	vor.u32 s21, v12;
	v51 =	vmul.f32 v43, v36;
	[tilespmem:v45+s29+$0x0] =	vst.idx.msk $0xffff, v41;
	v49 =	vld [tilespmem:s19+$0x5480]  }
0x1a5: {  	v53 =	vor.u32 s22, v12;
	[tilespmem:v46+s29+$0x0] =	vst.idx.msk $0xffff, v48;
	v52 =	vld [tilespmem:s19+$0x5490]  }
0x1a6: {  	v54 =	vor.u32 s23, v12;
	[tilespmem:v47+s29+$0x0] =	vst.idx.msk $0xffff, v51;
	v40 =	vld [tilespmem:s19+$0x54A0]  }
0x1a7: {  	v55 =	vor.u32 s20, v12;
	v41 =	vld [tilespmem:s19+$0x54B0];
	_ =	sdelay $0x1  }
0x1a8: {  	[tilespmem:v50+s29+$0x0] =	vst.idx.msk $0xffff, v49  }
0x1a9: {  	v56 =	vor.u32 s21, v13;
	[tilespmem:v53+s29+$0x0] =	vst.idx.msk $0xffff, v52;
	v42 =	vld [tilespmem:s19+$0x5680]  }
0x1aa: {  	v57 =	vor.u32 s22, v13;
	[tilespmem:v54+s29+$0x0] =	vst.idx.msk $0xffff, v40;
	v43 =	vld [tilespmem:s19+$0x5690]  }
0x1ab: {  	v58 =	vor.u32 s23, v13;
	[tilespmem:v55+s29+$0x0] =	vst.idx.msk $0xffff, v41;
	v40 =	vld [tilespmem:s19+$0x56A0]  }
0x1ac: {  	v59 =	vor.u32 s20, v13;
	v41 =	vld [tilespmem:s19+$0x56B0];
	_ =	sdelay $0x1  }
0x1ad: {  	[tilespmem:v56+s29+$0x0] =	vst.idx.msk $0xffff, v42  }
0x1ae: {  	v60 =	vor.u32 s21, v14;
	[tilespmem:v57+s29+$0x0] =	vst.idx.msk $0xffff, v43;
	v44 =	vld [tilespmem:s19+$0x5880]  }
0x1af: {  	v61 =	vor.u32 s22, v14;
	[tilespmem:v58+s29+$0x0] =	vst.idx.msk $0xffff, v40;
	v45 =	vld [tilespmem:s19+$0x5890]  }
0x1b0: {  	v62 =	vor.u32 s23, v14;
	[tilespmem:v59+s29+$0x0] =	vst.idx.msk $0xffff, v41;
	v40 =	vld [tilespmem:s19+$0x58A0]  }
0x1b1: {  	p1 =	por p0, p0;
	v63 =	vor.u32 s20, v14;
	v41 =	vld [tilespmem:s19+$0x58B0]  }
.Ltmp7:
0x1b2: {  	_ = 	snop;
	(pc) =	sbr.rel @p1 .LBB2_16-.Ltmp7, $4  }
0x1b3: {  	[tilespmem:v60+s29+$0x0] =	vst.idx.msk $0xffff, v44  }
0x1b4: {  	[tilespmem:v61+s29+$0x0] =	vst.idx.msk $0xffff, v45  }
0x1b5: {  	[tilespmem:v62+s29+$0x0] =	vst.idx.msk $0xffff, v40  }
0x1b6: {  	p0 =	por $0x0, $0x0;
	s19 =	simm.s32 $0x40;
	[tilespmem:v63+s29+$0x0] =	vst.idx.msk $0xffff, v41  }
0x1b7: {  	_ =	swait.ge [sflag:s30], $0x1000  }
0x1b8: {  	[sflag:s30] =	ssyncset.done $0x0  }
0x1b9: {  	s21 =	simm.s32 $0x12F0;
	[sflag:s30] =	ssyncadd.s32 $0xFFFFF000  }
0x1ba: {  	v40 =	vld [tilespmem:s21+$0xFFFFFFF0]  }
0x1bb: {  	v41 =	vld [tilespmem:s21+$0xFFFFFF30]  }
0x1bc: {  	v42 =	vld [tilespmem:s21+$0xFFFFFF50]  }
0x1bd: {  	v43 =	vld [tilespmem:s21+$0xFFFFFF70]  }
0x1be: {  	s19 =	simm.s32 $0x9A00;
	v44 =	vld [tilespmem:s21+$0xFFFFFF90]  }
0x1bf: {  	v45 =	vld [tilespmem:s21+$0xFFFFFFB0];
	[tilespmem:s19+$0x380] =	vst v40  }
0x1c0: {  	v62 =	vld [tilespmem:s21+$0xFFFFFFD0];
	[tilespmem:s19+$0x80] =	vst v41  }
0x1c1: {  	v46 =	vld [tilespmem:s21+$0xFFFFFF10];
	[tilespmem:s19+$0x100] =	vst v42  }
0x1c2: {  	[tilespmem:s19+$0x180] =	vst v43;
	v61 =	vld [tilespmem:s21+$0x0]  }
0x1c3: {  	[tilespmem:s19+$0x200] =	vst v44;
	v47 =	vld [tilespmem:s21+$0xFFFFFF40]  }
0x1c4: {  	[tilespmem:s19+$0x280] =	vst v45;
	v63 =	vld [tilespmem:s21+$0xFFFFFF60]  }
0x1c5: {  	[tilespmem:s19+$0x300] =	vst v62;
	v40 =	vld [tilespmem:s21+$0xFFFFFF80]  }
0x1c6: {  	[tilespmem:s19+$0x0] =	vst v46;
	v41 =	vld [tilespmem:s21+$0xFFFFFFA0]  }
0x1c7: {  	v43 =	vld [tilespmem:s21+$0xFFFFFFC0];
	[tilespmem:s19+$0x390] =	vst v61  }
0x1c8: {  	v42 =	vld [tilespmem:s21+$0xFFFFFF20];
	[tilespmem:s19+$0x90] =	vst v47  }
0x1c9: {  	s20 =	simm.s32 $0x0;
	v44 =	vld [tilespmem:s21+$0xFFFFFFE0];
	s21 =	simm.s32 $0x13F0;
	[tilespmem:s19+$0x110] =	vst v63  }
.LBB2_18:
0x1ca: {  	v45 =	vld [tilespmem:s21+$0xFFFFFFF0];
	s20 =	sadd.s32 $0x8, s20;
	[tilespmem:s19+$0x190] =	vst v40  }
0x1cb: {  	v40 =	vld [tilespmem:s21+$0xFFFFFF30];
	p0 =	slt.u32 s20, $0x78;
	[tilespmem:s19+$0x210] =	vst v41  }
0x1cc: {  	v41 =	vld [tilespmem:s21+$0xFFFFFF50];
	[tilespmem:s19+$0x290] =	vst v43  }
0x1cd: {  	v43 =	vld [tilespmem:s21+$0xFFFFFF70];
	[tilespmem:s19+$0x10] =	vst v42  }
0x1ce: {  	v42 =	vld [tilespmem:s21+$0xFFFFFF90];
	[tilespmem:s19+$0x310] =	vst v44;
	s19 =	sadd.s32 $0x400, s19  }
0x1cf: {  	v44 =	vld [tilespmem:s21+$0xFFFFFFB0];
	[tilespmem:s19+$0x380] =	vst v45  }
0x1d0: {  	[tilespmem:s19+$0x80] =	vst v40;
	v45 =	vld [tilespmem:s21+$0x0]  }
0x1d1: {  	[tilespmem:s19+$0x100] =	vst v41;
	v46 =	vld [tilespmem:s21+$0xFFFFFFD0]  }
0x1d2: {  	v47 =	vld [tilespmem:s21+$0xFFFFFF10];
	[tilespmem:s19+$0x180] =	vst v43  }
0x1d3: {  	v48 =	vld [tilespmem:s21+$0xFFFFFF40];
	[tilespmem:s19+$0x200] =	vst v42  }
0x1d4: {  	v49 =	vld [tilespmem:s21+$0xFFFFFF60];
	[tilespmem:s19+$0x280] =	vst v44  }
.Ltmp8:
0x1d5: {  	v40 =	vld [tilespmem:s21+$0xFFFFFF80];
	[tilespmem:s19+$0x390] =	vst v45;
	(pc) =	sbr.rel @p0 .LBB2_18-.Ltmp8, $4  }
0x1d6: {  	v41 =	vld [tilespmem:s21+$0xFFFFFFA0];
	[tilespmem:s19+$0x300] =	vst v46  }
0x1d7: {  	[tilespmem:s19+$0x0] =	vst v47;
	v43 =	vld [tilespmem:s21+$0xFFFFFFC0]  }
0x1d8: {  	v42 =	vld [tilespmem:s21+$0xFFFFFF20];
	[tilespmem:s19+$0x90] =	vst v48  }
0x1d9: {  	[tilespmem:s19+$0x110] =	vst v49;
	v44 =	vld [tilespmem:s21+$0xFFFFFFE0];
	s21 =	sadd.s32 $0x100, s21  }
0x1da: {  	[tilespmem:s19+$0x190] =	vst v40  }
0x1db: {  	[tilespmem:s19+$0x210] =	vst v41  }
0x1dc: {  	[tilespmem:s19+$0x290] =	vst v43  }
0x1dd: {  	[tilespmem:s19+$0x10] =	vst v42  }
0x1de: {  	[tilespmem:s19+$0x310] =	vst v44;
	s19 =	simm.s32 $0xDA24  }
0x1df: {  	[hbm4b:s11+s2] =	stream.linear.scatter [tilespmem:s31], [sflag:$0x2], $0x4000, $0x38;
	[tilespmem:$0x15A00] =	vst v63  }
0x1e0: {  	[tilespmem:s19+$0x0] =	vst v1  }
0x1e1: {  	[tilespmem:s19+$0x3A0] =	vst v1  }
0x1e2: {  	[tilespmem:s19+$0x390] =	vst v1  }
0x1e3: {  	[tilespmem:s19+$0x380] =	vst v1  }
0x1e4: {  	[tilespmem:s19+$0x320] =	vst v1  }
0x1e5: {  	[tilespmem:s19+$0x310] =	vst v1  }
0x1e6: {  	[tilespmem:s19+$0x300] =	vst v1  }
0x1e7: {  	[tilespmem:s19+$0x2A0] =	vst v1  }
0x1e8: {  	[tilespmem:s19+$0x290] =	vst v1  }
0x1e9: {  	[tilespmem:s19+$0x280] =	vst v1  }
0x1ea: {  	[tilespmem:s19+$0x220] =	vst v1  }
0x1eb: {  	[tilespmem:s19+$0x210] =	vst v1  }
0x1ec: {  	[tilespmem:s19+$0x200] =	vst v1  }
0x1ed: {  	[tilespmem:s19+$0x1A0] =	vst v1  }
0x1ee: {  	[tilespmem:s19+$0x190] =	vst v1  }
0x1ef: {  	[tilespmem:s19+$0x180] =	vst v1  }
0x1f0: {  	[tilespmem:s19+$0x120] =	vst v1  }
0x1f1: {  	[tilespmem:s19+$0x110] =	vst v1  }
0x1f2: {  	[tilespmem:s19+$0x100] =	vst v1  }
0x1f3: {  	[tilespmem:s19+$0xA0] =	vst v1  }
0x1f4: {  	[tilespmem:s19+$0x90] =	vst v1  }
0x1f5: {  	[tilespmem:s19+$0x80] =	vst v1  }
0x1f6: {  	[tilespmem:s19+$0x20] =	vst v1  }
0x1f7: {  	[tilespmem:s19+$0x10] =	vst v1  }
0x1f8: {  	[tilespmem:s19+$0x30] =	vst v1  }
0x1f9: {  	[tilespmem:s19+$0x330] =	vst v1  }
0x1fa: {  	[tilespmem:s19+$0x3B0] =	vst v1  }
0x1fb: {  	[tilespmem:s19+$0x130] =	vst v1  }
0x1fc: {  	[tilespmem:s19+$0x230] =	vst v1  }
0x1fd: {  	[tilespmem:s19+$0x2B0] =	vst v1  }
0x1fe: {  	[tilespmem:s19+$0x1B0] =	vst v1  }
0x1ff: {  	[tilespmem:s19+$0xB0] =	vst v1  }
0x200: {  	[tilespmem:s19+$0x3B1] =	vst v1  }
0x201: {  	[tilespmem:s19+$0x331] =	vst v1  }
0x202: {  	[tilespmem:s19+$0x2B1] =	vst v1  }
0x203: {  	[tilespmem:s19+$0x231] =	vst v1  }
0x204: {  	[tilespmem:s19+$0x131] =	vst v1  }
0x205: {  	[tilespmem:s19+$0x1B1] =	vst v1  }
0x206: {  	s21 =	simm.s32 $0x0;
	[tilespmem:s19+$0xB1] =	vst v1  }
.LBB2_20:
0x207: {  	s21 =	sadd.s32 $0x8, s21;
	[tilespmem:s19+$0x31] =	vst v1;
	s19 =	sadd.s32 $0x400, s19;
	s20 =	simm.s32 $0x4A70  }
0x208: {  	[tilespmem:s19+$0x0] =	vst v1;
	p0 =	slt.u32 s21, $0x78  }
0x209: {  	[tilespmem:s19+$0x3A0] =	vst v1  }
0x20a: {  	[tilespmem:s19+$0x390] =	vst v1  }
0x20b: {  	[tilespmem:s19+$0x380] =	vst v1  }
0x20c: {  	[tilespmem:s19+$0x320] =	vst v1  }
0x20d: {  	[tilespmem:s19+$0x310] =	vst v1  }
0x20e: {  	[tilespmem:s19+$0x300] =	vst v1  }
0x20f: {  	[tilespmem:s19+$0x2A0] =	vst v1  }
0x210: {  	[tilespmem:s19+$0x290] =	vst v1  }
0x211: {  	[tilespmem:s19+$0x280] =	vst v1  }
0x212: {  	[tilespmem:s19+$0x220] =	vst v1  }
0x213: {  	[tilespmem:s19+$0x210] =	vst v1  }
0x214: {  	[tilespmem:s19+$0x200] =	vst v1  }
0x215: {  	[tilespmem:s19+$0x1A0] =	vst v1  }
0x216: {  	[tilespmem:s19+$0x190] =	vst v1  }
0x217: {  	[tilespmem:s19+$0x180] =	vst v1  }
0x218: {  	[tilespmem:s19+$0x120] =	vst v1  }
0x219: {  	[tilespmem:s19+$0x110] =	vst v1  }
0x21a: {  	[tilespmem:s19+$0x100] =	vst v1  }
0x21b: {  	[tilespmem:s19+$0xA0] =	vst v1  }
0x21c: {  	[tilespmem:s19+$0x90] =	vst v1  }
0x21d: {  	[tilespmem:s19+$0x80] =	vst v1  }
0x21e: {  	[tilespmem:s19+$0x20] =	vst v1  }
0x21f: {  	[tilespmem:s19+$0x10] =	vst v1  }
0x220: {  	[tilespmem:s19+$0x30] =	vst v1  }
0x221: {  	[tilespmem:s19+$0x330] =	vst v1  }
0x222: {  	[tilespmem:s19+$0x3B0] =	vst v1  }
0x223: {  	[tilespmem:s19+$0x3B1] =	vst v1  }
0x224: {  	[tilespmem:s19+$0x331] =	vst v1  }
0x225: {  	[tilespmem:s19+$0x130] =	vst v1  }
0x226: {  	[tilespmem:s19+$0x230] =	vst v1  }
0x227: {  	[tilespmem:s19+$0x2B0] =	vst v1  }
0x228: {  	[tilespmem:s19+$0x2B1] =	vst v1  }
0x229: {  	[tilespmem:s19+$0x231] =	vst v1  }
.Ltmp9:
0x22a: {  	[tilespmem:s19+$0x131] =	vst v1;
	(pc) =	sbr.rel @p0 .LBB2_20-.Ltmp9, $4  }
0x22b: {  	[tilespmem:s19+$0x1B0] =	vst v1  }
0x22c: {  	[tilespmem:s19+$0x1B1] =	vst v1  }
0x22d: {  	[tilespmem:s19+$0xB0] =	vst v1  }
0x22e: {  	[tilespmem:s19+$0xB1] =	vst v1  }
0x22f: {  	[tilespmem:s19+$0x31] =	vst v1  }
0x230: {  	v40 =	vld [tilespmem:s20+$0x0]  }
0x231: {  	v41 =	vld [tilespmem:s20+$0xFFFFFFA0]  }
0x232: {  	v42 =	vld [tilespmem:s20+$0xFFFFFFB0]  }
0x233: {  	v43 =	vld [tilespmem:s20+$0xFFFFFFC0]  }
0x234: {  	v44 =	vld [tilespmem:s20+$0xFFFFFFD0]  }
0x235: {  	v45 =	vld [tilespmem:s20+$0xFFFFFFE0];
	v40 =	vadd.s32 v30, v40  }
0x236: {  	v47 =	vld [tilespmem:s20+$0xFFFFFFF0];
	v46 =	vadd.s32 v24, v41  }
0x237: {  	s26 =	simm.s32 $0x4AF0;
	v48 =	vld [tilespmem:s20+$0xFFFFFF90];
	v42 =	vadd.s32 v25, v42  }
0x238: {  	v49 =	vld [tilespmem:s26+$0x0];
	v43 =	vadd.s32 v26, v43  }
0x239: {  	v50 =	vld [tilespmem:s26+$0xFFFFFFA0];
	v51 =	vadd.s32 v27, v44  }
0x23a: {  	v52 =	vld [tilespmem:s26+$0xFFFFFFB0];
	v53 =	vadd.s32 v28, v45;
	[tilespmem:v40+s29+$0x0] =	vst.idx.msk $0xffff, v3  }
0x23b: {  	v41 =	vld [tilespmem:s26+$0xFFFFFFC0];
	[tilespmem:v46+s29+$0x0] =	vst.idx.msk $0xffff, v3;
	v46 =	vadd.s32 v29, v47  }
0x23c: {  	v45 =	vadd.s32 v23, v48;
	v40 =	vld [tilespmem:s26+$0xFFFFFFD0];
	[tilespmem:v42+s29+$0x0] =	vst.idx.msk $0xffff, v3  }
0x23d: {  	v44 =	vadd.s32 v30, v49;
	v42 =	vld [tilespmem:s26+$0xFFFFFFE0];
	[tilespmem:v43+s29+$0x0] =	vst.idx.msk $0xffff, v3  }
0x23e: {  	v49 =	vadd.s32 v24, v50;
	v43 =	vld [tilespmem:s26+$0xFFFFFFF0];
	[tilespmem:v51+s29+$0x0] =	vst.idx.msk $0xffff, v3  }
0x23f: {  	s19 =	simm.s32 $0x8;
	s20 =	simm.s32 $0x4B70;
	v48 =	vadd.s32 v25, v52;
	v47 =	vld [tilespmem:s26+$0xFFFFFF90];
	[tilespmem:v53+s29+$0x0] =	vst.idx.msk $0xffff, v3  }
.LBB2_22:
0x240: {  	v50 =	vld [tilespmem:s20+$0x0];
	s19 =	sadd.s32 $0x8, s19;
	v51 =	vadd.s32 v26, v41;
	[tilespmem:v46+s29+$0x0] =	vst.idx.msk $0xffff, v3  }
0x241: {  	v52 =	vld [tilespmem:s20+$0xFFFFFFA0];
	p0 =	slt.u32 s19, $0x38;
	v53 =	vadd.s32 v27, v40;
	[tilespmem:v45+s29+$0x0] =	vst.idx.msk $0xffff, v3  }
0x242: {  	v54 =	vld [tilespmem:s20+$0xFFFFFFB0];
	v55 =	vadd.s32 v28, v42;
	[tilespmem:v44+s29+$0x0] =	vst.idx.msk $0xffff, v3  }
.Ltmp10:
0x243: {  	v41 =	vld [tilespmem:s20+$0xFFFFFFC0];
	[tilespmem:v49+s29+$0x0] =	vst.idx.msk $0xffff, v3;
	v46 =	vadd.s32 v29, v43;
	(pc) =	sbr.rel @p0 .LBB2_22-.Ltmp10, $4  }
0x244: {  	v40 =	vld [tilespmem:s20+$0xFFFFFFD0];
	v45 =	vadd.s32 v23, v47;
	[tilespmem:v48+s29+$0x0] =	vst.idx.msk $0xffff, v3  }
0x245: {  	v42 =	vld [tilespmem:s20+$0xFFFFFFE0];
	v44 =	vadd.s32 v30, v50;
	[tilespmem:v51+s29+$0x0] =	vst.idx.msk $0xffff, v3  }
0x246: {  	v49 =	vadd.s32 v24, v52;
	v43 =	vld [tilespmem:s20+$0xFFFFFFF0];
	[tilespmem:v53+s29+$0x0] =	vst.idx.msk $0xffff, v3  }
0x247: {  	v47 =	vld [tilespmem:s20+$0xFFFFFF90];
	v48 =	vadd.s32 v25, v54;
	s20 =	sadd.s32 $0x80, s20;
	[tilespmem:v55+s29+$0x0] =	vst.idx.msk $0xffff, v3  }
0x248: {  	_ =	sdelay $0x3  }
0x249: {  	v41 =	vadd.s32 v26, v41;
	[tilespmem:v46+s29+$0x0] =	vst.idx.msk $0xffff, v3  }
0x24a: {  	[tilespmem:v45+s29+$0x0] =	vst.idx.msk $0xffff, v3;
	v40 =	vadd.s32 v27, v40  }
0x24b: {  	[tilespmem:v44+s29+$0x0] =	vst.idx.msk $0xffff, v3;
	v42 =	vadd.s32 v28, v42  }
0x24c: {  	[tilespmem:v49+s29+$0x0] =	vst.idx.msk $0xffff, v3;
	v43 =	vadd.s32 v29, v43  }
0x24d: {  	[tilespmem:v48+s29+$0x0] =	vst.idx.msk $0xffff, v3;
	v63 =	vadd.s32 v23, v47  }
0x24e: {  	[tilespmem:v41+s29+$0x0] =	vst.idx.msk $0xffff, v3  }
0x24f: {  	[tilespmem:v40+s29+$0x0] =	vst.idx.msk $0xffff, v3  }
0x250: {  	[tilespmem:v42+s29+$0x0] =	vst.idx.msk $0xffff, v3  }
0x251: {  	[tilespmem:v43+s29+$0x0] =	vst.idx.msk $0xffff, v3  }
0x252: {  	s19 =	simm.s32 $0x0;
	p0 =	por $0x1, $0x1;
	[tilespmem:v63+s29+$0x0] =	vst.idx.msk $0xffff, v3  }
.LBB2_24:
0x253: {  	v40 =	vld [tilespmem:s19+$0x5300]  }
0x254: {  	v41 =	vld [tilespmem:s19+$0x5310]  }
0x255: {  	s20 =	sshll.u32 s19, $0x7;
	v42 =	vld [tilespmem:s19+$0x5320]  }
0x256: {  	v43 =	vld [tilespmem:s19+$0x5330];
	s21 =	sor.u32 $0x8000, s20  }
0x257: {  	s22 =	sor.u32 $0x8800, s20;
	v44 =	vor.u32 s21, v11  }
0x258: {  	s23 =	sor.u32 $0x9000, s20;
	v45 =	vor.u32 s22, v11;
	v40 =	vadd.f32 $-4.500000000e+01, v40  }
0x259: {  	s20 =	sor.u32 $0x9800, s20;
	v46 =	vor.u32 s23, v11;
	v41 =	vadd.f32 $-4.500000000e+01, v41  }
0x25a: {  	v47 =	vor.u32 s20, v11;
	v42 =	vadd.f32 $-4.500000000e+01, v42;
	v40 =	vmul.f32 v40, v36  }
0x25b: {  	v43 =	vadd.f32 $-4.500000000e+01, v43;
	v41 =	vmul.f32 v41, v36  }
0x25c: {  	v48 =	vmul.f32 v42, v36;
	[tilespmem:v44+s29+$0x0] =	vst.idx.msk $0xffff, v40  }
0x25d: {  	v50 =	vor.u32 s21, v12;
	v51 =	vmul.f32 v43, v36;
	[tilespmem:v45+s29+$0x0] =	vst.idx.msk $0xffff, v41;
	v49 =	vld [tilespmem:s19+$0x5500]  }
0x25e: {  	v53 =	vor.u32 s22, v12;
	[tilespmem:v46+s29+$0x0] =	vst.idx.msk $0xffff, v48;
	v52 =	vld [tilespmem:s19+$0x5510]  }
0x25f: {  	v54 =	vor.u32 s23, v12;
	[tilespmem:v47+s29+$0x0] =	vst.idx.msk $0xffff, v51;
	v40 =	vld [tilespmem:s19+$0x5520]  }
0x260: {  	v55 =	vor.u32 s20, v12;
	v41 =	vld [tilespmem:s19+$0x5530];
	_ =	sdelay $0x1  }
0x261: {  	[tilespmem:v50+s29+$0x0] =	vst.idx.msk $0xffff, v49  }
0x262: {  	v56 =	vor.u32 s21, v13;
	[tilespmem:v53+s29+$0x0] =	vst.idx.msk $0xffff, v52;
	v42 =	vld [tilespmem:s19+$0x5700]  }
0x263: {  	v57 =	vor.u32 s22, v13;
	[tilespmem:v54+s29+$0x0] =	vst.idx.msk $0xffff, v40;
	v43 =	vld [tilespmem:s19+$0x5710]  }
0x264: {  	v58 =	vor.u32 s23, v13;
	[tilespmem:v55+s29+$0x0] =	vst.idx.msk $0xffff, v41;
	v40 =	vld [tilespmem:s19+$0x5720]  }
0x265: {  	v59 =	vor.u32 s20, v13;
	v41 =	vld [tilespmem:s19+$0x5730];
	_ =	sdelay $0x1  }
0x266: {  	[tilespmem:v56+s29+$0x0] =	vst.idx.msk $0xffff, v42  }
0x267: {  	v60 =	vor.u32 s21, v14;
	[tilespmem:v57+s29+$0x0] =	vst.idx.msk $0xffff, v43;
	v44 =	vld [tilespmem:s19+$0x5900]  }
0x268: {  	v61 =	vor.u32 s22, v14;
	[tilespmem:v58+s29+$0x0] =	vst.idx.msk $0xffff, v40;
	v45 =	vld [tilespmem:s19+$0x5910]  }
0x269: {  	v62 =	vor.u32 s23, v14;
	[tilespmem:v59+s29+$0x0] =	vst.idx.msk $0xffff, v41;
	v40 =	vld [tilespmem:s19+$0x5920]  }
0x26a: {  	p1 =	por p0, p0;
	v63 =	vor.u32 s20, v14;
	v41 =	vld [tilespmem:s19+$0x5930]  }
.Ltmp11:
0x26b: {  	_ = 	snop;
	(pc) =	sbr.rel @p1 .LBB2_24-.Ltmp11, $4  }
0x26c: {  	[tilespmem:v60+s29+$0x0] =	vst.idx.msk $0xffff, v44  }
0x26d: {  	[tilespmem:v61+s29+$0x0] =	vst.idx.msk $0xffff, v45  }
0x26e: {  	[tilespmem:v62+s29+$0x0] =	vst.idx.msk $0xffff, v40  }
0x26f: {  	p0 =	por $0x0, $0x0;
	s19 =	simm.s32 $0x40;
	[tilespmem:v63+s29+$0x0] =	vst.idx.msk $0xffff, v41  }
0x270: {  	_ =	swait.ge [sflag:s30], $0x1000  }
0x271: {  	[sflag:s30] =	ssyncset.done $0x0  }
0x272: {  	s21 =	simm.s32 $0x22F0;
	[sflag:s30] =	ssyncadd.s32 $0xFFFFF000  }
0x273: {  	v40 =	vld [tilespmem:s21+$0xFFFFFFF0]  }
0x274: {  	v41 =	vld [tilespmem:s21+$0xFFFFFF30]  }
0x275: {  	v42 =	vld [tilespmem:s21+$0xFFFFFF50]  }
0x276: {  	v43 =	vld [tilespmem:s21+$0xFFFFFF70]  }
0x277: {  	s19 =	simm.s32 $0xDA00;
	v44 =	vld [tilespmem:s21+$0xFFFFFF90]  }
0x278: {  	v45 =	vld [tilespmem:s21+$0xFFFFFFB0];
	[tilespmem:s19+$0x380] =	vst v40  }
0x279: {  	v62 =	vld [tilespmem:s21+$0xFFFFFFD0];
	[tilespmem:s19+$0x80] =	vst v41  }
0x27a: {  	v46 =	vld [tilespmem:s21+$0xFFFFFF10];
	[tilespmem:s19+$0x100] =	vst v42  }
0x27b: {  	[tilespmem:s19+$0x180] =	vst v43;
	v61 =	vld [tilespmem:s21+$0x0]  }
0x27c: {  	[tilespmem:s19+$0x200] =	vst v44;
	v47 =	vld [tilespmem:s21+$0xFFFFFF40]  }
0x27d: {  	[tilespmem:s19+$0x280] =	vst v45;
	v63 =	vld [tilespmem:s21+$0xFFFFFF60]  }
0x27e: {  	[tilespmem:s19+$0x300] =	vst v62;
	v40 =	vld [tilespmem:s21+$0xFFFFFF80]  }
0x27f: {  	[tilespmem:s19+$0x0] =	vst v46;
	v41 =	vld [tilespmem:s21+$0xFFFFFFA0]  }
0x280: {  	v43 =	vld [tilespmem:s21+$0xFFFFFFC0];
	[tilespmem:s19+$0x390] =	vst v61  }
0x281: {  	v42 =	vld [tilespmem:s21+$0xFFFFFF20];
	[tilespmem:s19+$0x90] =	vst v47  }
0x282: {  	s20 =	simm.s32 $0x0;
	v44 =	vld [tilespmem:s21+$0xFFFFFFE0];
	s21 =	simm.s32 $0x23F0;
	[tilespmem:s19+$0x110] =	vst v63  }
.LBB2_26:
0x283: {  	v45 =	vld [tilespmem:s21+$0xFFFFFFF0];
	s20 =	sadd.s32 $0x8, s20;
	[tilespmem:s19+$0x190] =	vst v40  }
0x284: {  	v40 =	vld [tilespmem:s21+$0xFFFFFF30];
	p0 =	slt.u32 s20, $0x78;
	[tilespmem:s19+$0x210] =	vst v41  }
0x285: {  	v41 =	vld [tilespmem:s21+$0xFFFFFF50];
	[tilespmem:s19+$0x290] =	vst v43  }
0x286: {  	v43 =	vld [tilespmem:s21+$0xFFFFFF70];
	[tilespmem:s19+$0x10] =	vst v42  }
0x287: {  	v42 =	vld [tilespmem:s21+$0xFFFFFF90];
	[tilespmem:s19+$0x310] =	vst v44;
	s19 =	sadd.s32 $0x400, s19  }
0x288: {  	v44 =	vld [tilespmem:s21+$0xFFFFFFB0];
	[tilespmem:s19+$0x380] =	vst v45  }
0x289: {  	[tilespmem:s19+$0x80] =	vst v40;
	v45 =	vld [tilespmem:s21+$0x0]  }
0x28a: {  	[tilespmem:s19+$0x100] =	vst v41;
	v46 =	vld [tilespmem:s21+$0xFFFFFFD0]  }
0x28b: {  	v47 =	vld [tilespmem:s21+$0xFFFFFF10];
	[tilespmem:s19+$0x180] =	vst v43  }
0x28c: {  	v48 =	vld [tilespmem:s21+$0xFFFFFF40];
	[tilespmem:s19+$0x200] =	vst v42  }
0x28d: {  	v49 =	vld [tilespmem:s21+$0xFFFFFF60];
	[tilespmem:s19+$0x280] =	vst v44  }
.Ltmp12:
0x28e: {  	v40 =	vld [tilespmem:s21+$0xFFFFFF80];
	[tilespmem:s19+$0x390] =	vst v45;
	(pc) =	sbr.rel @p0 .LBB2_26-.Ltmp12, $4  }
0x28f: {  	v41 =	vld [tilespmem:s21+$0xFFFFFFA0];
	[tilespmem:s19+$0x300] =	vst v46  }
0x290: {  	[tilespmem:s19+$0x0] =	vst v47;
	v43 =	vld [tilespmem:s21+$0xFFFFFFC0]  }
0x291: {  	v42 =	vld [tilespmem:s21+$0xFFFFFF20];
	[tilespmem:s19+$0x90] =	vst v48  }
0x292: {  	[tilespmem:s19+$0x110] =	vst v49;
	v44 =	vld [tilespmem:s21+$0xFFFFFFE0];
	s21 =	sadd.s32 $0x100, s21  }
0x293: {  	[tilespmem:s19+$0x190] =	vst v40  }
0x294: {  	[tilespmem:s19+$0x210] =	vst v41  }
0x295: {  	[tilespmem:s19+$0x290] =	vst v43  }
0x296: {  	[tilespmem:s19+$0x10] =	vst v42  }
0x297: {  	[tilespmem:s19+$0x310] =	vst v44;
	s19 =	simm.s32 $0x11A24  }
0x298: {  	[hbm4b:s12+s2] =	stream.linear.scatter [tilespmem:s0], [sflag:$0x2], $0x4000, $0x38;
	[tilespmem:$0x15A00] =	vst v63  }
0x299: {  	[tilespmem:s19+$0x0] =	vst v1  }
0x29a: {  	[tilespmem:s19+$0x3A0] =	vst v1  }
0x29b: {  	[tilespmem:s19+$0x390] =	vst v1  }
0x29c: {  	[tilespmem:s19+$0x380] =	vst v1  }
0x29d: {  	[tilespmem:s19+$0x320] =	vst v1  }
0x29e: {  	[tilespmem:s19+$0x310] =	vst v1  }
0x29f: {  	[tilespmem:s19+$0x300] =	vst v1  }
0x2a0: {  	[tilespmem:s19+$0x2A0] =	vst v1  }
0x2a1: {  	[tilespmem:s19+$0x290] =	vst v1  }
0x2a2: {  	[tilespmem:s19+$0x280] =	vst v1  }
0x2a3: {  	[tilespmem:s19+$0x220] =	vst v1  }
0x2a4: {  	[tilespmem:s19+$0x210] =	vst v1  }
0x2a5: {  	[tilespmem:s19+$0x200] =	vst v1  }
0x2a6: {  	[tilespmem:s19+$0x1A0] =	vst v1  }
0x2a7: {  	[tilespmem:s19+$0x190] =	vst v1  }
0x2a8: {  	[tilespmem:s19+$0x180] =	vst v1  }
0x2a9: {  	[tilespmem:s19+$0x120] =	vst v1  }
0x2aa: {  	[tilespmem:s19+$0x110] =	vst v1  }
0x2ab: {  	[tilespmem:s19+$0x100] =	vst v1  }
0x2ac: {  	[tilespmem:s19+$0xA0] =	vst v1  }
0x2ad: {  	[tilespmem:s19+$0x90] =	vst v1  }
0x2ae: {  	[tilespmem:s19+$0x80] =	vst v1  }
0x2af: {  	[tilespmem:s19+$0x20] =	vst v1  }
0x2b0: {  	[tilespmem:s19+$0x10] =	vst v1  }
0x2b1: {  	[tilespmem:s19+$0x30] =	vst v1  }
0x2b2: {  	[tilespmem:s19+$0x330] =	vst v1  }
0x2b3: {  	[tilespmem:s19+$0x3B0] =	vst v1  }
0x2b4: {  	[tilespmem:s19+$0x130] =	vst v1  }
0x2b5: {  	[tilespmem:s19+$0x230] =	vst v1  }
0x2b6: {  	[tilespmem:s19+$0x2B0] =	vst v1  }
0x2b7: {  	[tilespmem:s19+$0x1B0] =	vst v1  }
0x2b8: {  	[tilespmem:s19+$0xB0] =	vst v1  }
0x2b9: {  	[tilespmem:s19+$0x3B1] =	vst v1  }
0x2ba: {  	[tilespmem:s19+$0x331] =	vst v1  }
0x2bb: {  	[tilespmem:s19+$0x2B1] =	vst v1  }
0x2bc: {  	[tilespmem:s19+$0x231] =	vst v1  }
0x2bd: {  	[tilespmem:s19+$0x131] =	vst v1  }
0x2be: {  	[tilespmem:s19+$0x1B1] =	vst v1  }
0x2bf: {  	s21 =	simm.s32 $0x0;
	[tilespmem:s19+$0xB1] =	vst v1  }
.LBB2_28:
0x2c0: {  	s21 =	sadd.s32 $0x8, s21;
	[tilespmem:s19+$0x31] =	vst v1;
	s19 =	sadd.s32 $0x400, s19;
	s20 =	simm.s32 $0x4E70  }
0x2c1: {  	[tilespmem:s19+$0x0] =	vst v1;
	p0 =	slt.u32 s21, $0x78  }
0x2c2: {  	[tilespmem:s19+$0x3A0] =	vst v1  }
0x2c3: {  	[tilespmem:s19+$0x390] =	vst v1  }
0x2c4: {  	[tilespmem:s19+$0x380] =	vst v1  }
0x2c5: {  	[tilespmem:s19+$0x320] =	vst v1  }
0x2c6: {  	[tilespmem:s19+$0x310] =	vst v1  }
0x2c7: {  	[tilespmem:s19+$0x300] =	vst v1  }
0x2c8: {  	[tilespmem:s19+$0x2A0] =	vst v1  }
0x2c9: {  	[tilespmem:s19+$0x290] =	vst v1  }
0x2ca: {  	[tilespmem:s19+$0x280] =	vst v1  }
0x2cb: {  	[tilespmem:s19+$0x220] =	vst v1  }
0x2cc: {  	[tilespmem:s19+$0x210] =	vst v1  }
0x2cd: {  	[tilespmem:s19+$0x200] =	vst v1  }
0x2ce: {  	[tilespmem:s19+$0x1A0] =	vst v1  }
0x2cf: {  	[tilespmem:s19+$0x190] =	vst v1  }
0x2d0: {  	[tilespmem:s19+$0x180] =	vst v1  }
0x2d1: {  	[tilespmem:s19+$0x120] =	vst v1  }
0x2d2: {  	[tilespmem:s19+$0x110] =	vst v1  }
0x2d3: {  	[tilespmem:s19+$0x100] =	vst v1  }
0x2d4: {  	[tilespmem:s19+$0xA0] =	vst v1  }
0x2d5: {  	[tilespmem:s19+$0x90] =	vst v1  }
0x2d6: {  	[tilespmem:s19+$0x80] =	vst v1  }
0x2d7: {  	[tilespmem:s19+$0x20] =	vst v1  }
0x2d8: {  	[tilespmem:s19+$0x10] =	vst v1  }
0x2d9: {  	[tilespmem:s19+$0x30] =	vst v1  }
0x2da: {  	[tilespmem:s19+$0x330] =	vst v1  }
0x2db: {  	[tilespmem:s19+$0x3B0] =	vst v1  }
0x2dc: {  	[tilespmem:s19+$0x3B1] =	vst v1  }
0x2dd: {  	[tilespmem:s19+$0x331] =	vst v1  }
0x2de: {  	[tilespmem:s19+$0x130] =	vst v1  }
0x2df: {  	[tilespmem:s19+$0x230] =	vst v1  }
0x2e0: {  	[tilespmem:s19+$0x2B0] =	vst v1  }
0x2e1: {  	[tilespmem:s19+$0x2B1] =	vst v1  }
0x2e2: {  	[tilespmem:s19+$0x231] =	vst v1  }
.Ltmp13:
0x2e3: {  	[tilespmem:s19+$0x131] =	vst v1;
	(pc) =	sbr.rel @p0 .LBB2_28-.Ltmp13, $4  }
0x2e4: {  	[tilespmem:s19+$0x1B0] =	vst v1  }
0x2e5: {  	[tilespmem:s19+$0x1B1] =	vst v1  }
0x2e6: {  	[tilespmem:s19+$0xB0] =	vst v1  }
0x2e7: {  	[tilespmem:s19+$0xB1] =	vst v1  }
0x2e8: {  	[tilespmem:s19+$0x31] =	vst v1  }
0x2e9: {  	v40 =	vld [tilespmem:s20+$0x0]  }
0x2ea: {  	v41 =	vld [tilespmem:s20+$0xFFFFFFA0]  }
0x2eb: {  	v42 =	vld [tilespmem:s20+$0xFFFFFFB0]  }
0x2ec: {  	v43 =	vld [tilespmem:s20+$0xFFFFFFC0]  }
0x2ed: {  	v44 =	vld [tilespmem:s20+$0xFFFFFFD0]  }
0x2ee: {  	v45 =	vld [tilespmem:s20+$0xFFFFFFE0];
	v40 =	vadd.s32 v39, v40  }
0x2ef: {  	v47 =	vld [tilespmem:s20+$0xFFFFFFF0];
	v46 =	vadd.s32 v32, v41  }
0x2f0: {  	s26 =	simm.s32 $0x4EF0;
	v48 =	vld [tilespmem:s20+$0xFFFFFF90];
	v42 =	vadd.s32 v33, v42  }
0x2f1: {  	v49 =	vld [tilespmem:s26+$0x0];
	v43 =	vadd.s32 v34, v43  }
0x2f2: {  	v50 =	vld [tilespmem:s26+$0xFFFFFFA0];
	v51 =	vadd.s32 v35, v44  }
0x2f3: {  	v52 =	vld [tilespmem:s26+$0xFFFFFFB0];
	v53 =	vadd.s32 v37, v45;
	[tilespmem:v40+s29+$0x0] =	vst.idx.msk $0xffff, v3  }
0x2f4: {  	v41 =	vld [tilespmem:s26+$0xFFFFFFC0];
	[tilespmem:v46+s29+$0x0] =	vst.idx.msk $0xffff, v3;
	v46 =	vadd.s32 v38, v47  }
0x2f5: {  	v45 =	vadd.s32 v31, v48;
	v40 =	vld [tilespmem:s26+$0xFFFFFFD0];
	[tilespmem:v42+s29+$0x0] =	vst.idx.msk $0xffff, v3  }
0x2f6: {  	v44 =	vadd.s32 v39, v49;
	v42 =	vld [tilespmem:s26+$0xFFFFFFE0];
	[tilespmem:v43+s29+$0x0] =	vst.idx.msk $0xffff, v3  }
0x2f7: {  	v49 =	vadd.s32 v32, v50;
	v43 =	vld [tilespmem:s26+$0xFFFFFFF0];
	[tilespmem:v51+s29+$0x0] =	vst.idx.msk $0xffff, v3  }
0x2f8: {  	s19 =	simm.s32 $0x8;
	s20 =	simm.s32 $0x4F70;
	v48 =	vadd.s32 v33, v52;
	v47 =	vld [tilespmem:s26+$0xFFFFFF90];
	[tilespmem:v53+s29+$0x0] =	vst.idx.msk $0xffff, v3  }
.LBB2_30:
0x2f9: {  	v50 =	vld [tilespmem:s20+$0x0];
	s19 =	sadd.s32 $0x8, s19;
	v51 =	vadd.s32 v34, v41;
	[tilespmem:v46+s29+$0x0] =	vst.idx.msk $0xffff, v3  }
0x2fa: {  	v52 =	vld [tilespmem:s20+$0xFFFFFFA0];
	p0 =	slt.u32 s19, $0x38;
	v53 =	vadd.s32 v35, v40;
	[tilespmem:v45+s29+$0x0] =	vst.idx.msk $0xffff, v3  }
0x2fb: {  	v54 =	vld [tilespmem:s20+$0xFFFFFFB0];
	v55 =	vadd.s32 v37, v42;
	[tilespmem:v44+s29+$0x0] =	vst.idx.msk $0xffff, v3  }
.Ltmp14:
0x2fc: {  	v41 =	vld [tilespmem:s20+$0xFFFFFFC0];
	[tilespmem:v49+s29+$0x0] =	vst.idx.msk $0xffff, v3;
	v46 =	vadd.s32 v38, v43;
	(pc) =	sbr.rel @p0 .LBB2_30-.Ltmp14, $4  }
0x2fd: {  	v40 =	vld [tilespmem:s20+$0xFFFFFFD0];
	v45 =	vadd.s32 v31, v47;
	[tilespmem:v48+s29+$0x0] =	vst.idx.msk $0xffff, v3  }
0x2fe: {  	v42 =	vld [tilespmem:s20+$0xFFFFFFE0];
	v44 =	vadd.s32 v39, v50;
	[tilespmem:v51+s29+$0x0] =	vst.idx.msk $0xffff, v3  }
0x2ff: {  	v49 =	vadd.s32 v32, v52;
	v43 =	vld [tilespmem:s20+$0xFFFFFFF0];
	[tilespmem:v53+s29+$0x0] =	vst.idx.msk $0xffff, v3  }
0x300: {  	v47 =	vld [tilespmem:s20+$0xFFFFFF90];
	v48 =	vadd.s32 v33, v54;
	s20 =	sadd.s32 $0x80, s20;
	[tilespmem:v55+s29+$0x0] =	vst.idx.msk $0xffff, v3  }
0x301: {  	_ =	sdelay $0x3  }
0x302: {  	v41 =	vadd.s32 v34, v41;
	[tilespmem:v46+s29+$0x0] =	vst.idx.msk $0xffff, v3  }
0x303: {  	[tilespmem:v45+s29+$0x0] =	vst.idx.msk $0xffff, v3;
	v40 =	vadd.s32 v35, v40  }
0x304: {  	[tilespmem:v44+s29+$0x0] =	vst.idx.msk $0xffff, v3;
	v42 =	vadd.s32 v37, v42  }
0x305: {  	[tilespmem:v49+s29+$0x0] =	vst.idx.msk $0xffff, v3;
	v43 =	vadd.s32 v38, v43  }
0x306: {  	[tilespmem:v48+s29+$0x0] =	vst.idx.msk $0xffff, v3;
	v63 =	vadd.s32 v31, v47  }
0x307: {  	[tilespmem:v41+s29+$0x0] =	vst.idx.msk $0xffff, v3  }
0x308: {  	[tilespmem:v40+s29+$0x0] =	vst.idx.msk $0xffff, v3  }
0x309: {  	[tilespmem:v42+s29+$0x0] =	vst.idx.msk $0xffff, v3  }
0x30a: {  	[tilespmem:v43+s29+$0x0] =	vst.idx.msk $0xffff, v3  }
0x30b: {  	s19 =	simm.s32 $0x0;
	p0 =	por $0x1, $0x1;
	[tilespmem:v63+s29+$0x0] =	vst.idx.msk $0xffff, v3  }
.LBB2_32:
0x30c: {  	v40 =	vld [tilespmem:s19+$0x5380]  }
0x30d: {  	v41 =	vld [tilespmem:s19+$0x5390]  }
0x30e: {  	s20 =	sshll.u32 s19, $0x7;
	v42 =	vld [tilespmem:s19+$0x53A0]  }
0x30f: {  	v43 =	vld [tilespmem:s19+$0x53B0];
	s21 =	sor.u32 $0xC000, s20  }
0x310: {  	s22 =	sor.u32 $0xC800, s20;
	v44 =	vor.u32 s21, v11  }
0x311: {  	s23 =	sor.u32 $0xD000, s20;
	v45 =	vor.u32 s22, v11;
	v40 =	vadd.f32 $-4.500000000e+01, v40  }
0x312: {  	s20 =	sor.u32 $0xD800, s20;
	v46 =	vor.u32 s23, v11;
	v41 =	vadd.f32 $-4.500000000e+01, v41  }
0x313: {  	v47 =	vor.u32 s20, v11;
	v42 =	vadd.f32 $-4.500000000e+01, v42;
	v40 =	vmul.f32 v40, v36  }
0x314: {  	v43 =	vadd.f32 $-4.500000000e+01, v43;
	v41 =	vmul.f32 v41, v36  }
0x315: {  	v48 =	vmul.f32 v42, v36;
	[tilespmem:v44+s29+$0x0] =	vst.idx.msk $0xffff, v40  }
0x316: {  	v50 =	vor.u32 s21, v12;
	v51 =	vmul.f32 v43, v36;
	[tilespmem:v45+s29+$0x0] =	vst.idx.msk $0xffff, v41;
	v49 =	vld [tilespmem:s19+$0x5580]  }
0x317: {  	v53 =	vor.u32 s22, v12;
	[tilespmem:v46+s29+$0x0] =	vst.idx.msk $0xffff, v48;
	v52 =	vld [tilespmem:s19+$0x5590]  }
0x318: {  	v54 =	vor.u32 s23, v12;
	[tilespmem:v47+s29+$0x0] =	vst.idx.msk $0xffff, v51;
	v40 =	vld [tilespmem:s19+$0x55A0]  }
0x319: {  	v55 =	vor.u32 s20, v12;
	v41 =	vld [tilespmem:s19+$0x55B0];
	_ =	sdelay $0x1  }
0x31a: {  	[tilespmem:v50+s29+$0x0] =	vst.idx.msk $0xffff, v49  }
0x31b: {  	v56 =	vor.u32 s21, v13;
	[tilespmem:v53+s29+$0x0] =	vst.idx.msk $0xffff, v52;
	v42 =	vld [tilespmem:s19+$0x5780]  }
0x31c: {  	v57 =	vor.u32 s22, v13;
	[tilespmem:v54+s29+$0x0] =	vst.idx.msk $0xffff, v40;
	v43 =	vld [tilespmem:s19+$0x5790]  }
0x31d: {  	v58 =	vor.u32 s23, v13;
	[tilespmem:v55+s29+$0x0] =	vst.idx.msk $0xffff, v41;
	v40 =	vld [tilespmem:s19+$0x57A0]  }
0x31e: {  	v59 =	vor.u32 s20, v13;
	v41 =	vld [tilespmem:s19+$0x57B0];
	_ =	sdelay $0x1  }
0x31f: {  	[tilespmem:v56+s29+$0x0] =	vst.idx.msk $0xffff, v42  }
0x320: {  	v60 =	vor.u32 s21, v14;
	[tilespmem:v57+s29+$0x0] =	vst.idx.msk $0xffff, v43;
	v44 =	vld [tilespmem:s19+$0x5980]  }
0x321: {  	v61 =	vor.u32 s22, v14;
	[tilespmem:v58+s29+$0x0] =	vst.idx.msk $0xffff, v40;
	v45 =	vld [tilespmem:s19+$0x5990]  }
0x322: {  	v62 =	vor.u32 s23, v14;
	[tilespmem:v59+s29+$0x0] =	vst.idx.msk $0xffff, v41;
	v40 =	vld [tilespmem:s19+$0x59A0]  }
0x323: {  	p1 =	por p0, p0;
	v63 =	vor.u32 s20, v14;
	v41 =	vld [tilespmem:s19+$0x59B0]  }
.Ltmp15:
0x324: {  	_ = 	snop;
	(pc) =	sbr.rel @p1 .LBB2_32-.Ltmp15, $4  }
0x325: {  	[tilespmem:v60+s29+$0x0] =	vst.idx.msk $0xffff, v44  }
0x326: {  	[tilespmem:v61+s29+$0x0] =	vst.idx.msk $0xffff, v45  }
0x327: {  	[tilespmem:v62+s29+$0x0] =	vst.idx.msk $0xffff, v40  }
0x328: {  	p0 =	por $0x0, $0x0;
	s19 =	simm.s32 $0x40;
	[tilespmem:v63+s29+$0x0] =	vst.idx.msk $0xffff, v41  }
0x329: {  	_ =	swait.ge [sflag:s30], $0x1000  }
0x32a: {  	[sflag:s30] =	ssyncset.done $0x0  }
0x32b: {  	s21 =	simm.s32 $0x32F0;
	[sflag:s30] =	ssyncadd.s32 $0xFFFFF000  }
0x32c: {  	v40 =	vld [tilespmem:s21+$0xFFFFFFF0]  }
0x32d: {  	v41 =	vld [tilespmem:s21+$0xFFFFFF30]  }
0x32e: {  	v42 =	vld [tilespmem:s21+$0xFFFFFF50]  }
0x32f: {  	v43 =	vld [tilespmem:s21+$0xFFFFFF70]  }
0x330: {  	s19 =	simm.s32 $0x11A00;
	v44 =	vld [tilespmem:s21+$0xFFFFFF90]  }
0x331: {  	v45 =	vld [tilespmem:s21+$0xFFFFFFB0];
	[tilespmem:s19+$0x380] =	vst v40  }
0x332: {  	v62 =	vld [tilespmem:s21+$0xFFFFFFD0];
	[tilespmem:s19+$0x80] =	vst v41  }
0x333: {  	v46 =	vld [tilespmem:s21+$0xFFFFFF10];
	[tilespmem:s19+$0x100] =	vst v42  }
0x334: {  	[tilespmem:s19+$0x180] =	vst v43;
	v61 =	vld [tilespmem:s21+$0x0]  }
0x335: {  	[tilespmem:s19+$0x200] =	vst v44;
	v47 =	vld [tilespmem:s21+$0xFFFFFF40]  }
0x336: {  	[tilespmem:s19+$0x280] =	vst v45;
	v63 =	vld [tilespmem:s21+$0xFFFFFF60]  }
0x337: {  	[tilespmem:s19+$0x300] =	vst v62;
	v40 =	vld [tilespmem:s21+$0xFFFFFF80]  }
0x338: {  	[tilespmem:s19+$0x0] =	vst v46;
	v41 =	vld [tilespmem:s21+$0xFFFFFFA0]  }
0x339: {  	v43 =	vld [tilespmem:s21+$0xFFFFFFC0];
	[tilespmem:s19+$0x390] =	vst v61  }
0x33a: {  	v42 =	vld [tilespmem:s21+$0xFFFFFF20];
	[tilespmem:s19+$0x90] =	vst v47  }
0x33b: {  	s20 =	simm.s32 $0x0;
	v44 =	vld [tilespmem:s21+$0xFFFFFFE0];
	s21 =	simm.s32 $0x33F0;
	[tilespmem:s19+$0x110] =	vst v63  }
.LBB2_34:
0x33c: {  	v45 =	vld [tilespmem:s21+$0xFFFFFFF0];
	s20 =	sadd.s32 $0x8, s20;
	[tilespmem:s19+$0x190] =	vst v40  }
0x33d: {  	v40 =	vld [tilespmem:s21+$0xFFFFFF30];
	p0 =	slt.u32 s20, $0x78;
	[tilespmem:s19+$0x210] =	vst v41  }
0x33e: {  	v41 =	vld [tilespmem:s21+$0xFFFFFF50];
	[tilespmem:s19+$0x290] =	vst v43  }
0x33f: {  	v43 =	vld [tilespmem:s21+$0xFFFFFF70];
	[tilespmem:s19+$0x10] =	vst v42  }
0x340: {  	v42 =	vld [tilespmem:s21+$0xFFFFFF90];
	[tilespmem:s19+$0x310] =	vst v44;
	s19 =	sadd.s32 $0x400, s19  }
0x341: {  	v44 =	vld [tilespmem:s21+$0xFFFFFFB0];
	[tilespmem:s19+$0x380] =	vst v45  }
0x342: {  	[tilespmem:s19+$0x80] =	vst v40;
	v45 =	vld [tilespmem:s21+$0x0]  }
0x343: {  	[tilespmem:s19+$0x100] =	vst v41;
	v46 =	vld [tilespmem:s21+$0xFFFFFFD0]  }
0x344: {  	v47 =	vld [tilespmem:s21+$0xFFFFFF10];
	[tilespmem:s19+$0x180] =	vst v43  }
0x345: {  	v48 =	vld [tilespmem:s21+$0xFFFFFF40];
	[tilespmem:s19+$0x200] =	vst v42  }
0x346: {  	v49 =	vld [tilespmem:s21+$0xFFFFFF60];
	[tilespmem:s19+$0x280] =	vst v44  }
.Ltmp16:
0x347: {  	v40 =	vld [tilespmem:s21+$0xFFFFFF80];
	[tilespmem:s19+$0x390] =	vst v45;
	(pc) =	sbr.rel @p0 .LBB2_34-.Ltmp16, $4  }
0x348: {  	v41 =	vld [tilespmem:s21+$0xFFFFFFA0];
	[tilespmem:s19+$0x300] =	vst v46  }
0x349: {  	[tilespmem:s19+$0x0] =	vst v47;
	v43 =	vld [tilespmem:s21+$0xFFFFFFC0]  }
0x34a: {  	v42 =	vld [tilespmem:s21+$0xFFFFFF20];
	[tilespmem:s19+$0x90] =	vst v48  }
0x34b: {  	[tilespmem:s19+$0x110] =	vst v49;
	v44 =	vld [tilespmem:s21+$0xFFFFFFE0];
	s21 =	sadd.s32 $0x100, s21  }
0x34c: {  	[tilespmem:s19+$0x190] =	vst v40  }
0x34d: {  	[tilespmem:s19+$0x210] =	vst v41  }
0x34e: {  	[tilespmem:s19+$0x290] =	vst v43  }
0x34f: {  	[tilespmem:s19+$0x10] =	vst v42  }
0x350: {  	[tilespmem:s19+$0x310] =	vst v44  }
0x351: {  	[hbm4b:s13+s2] =	stream.linear.scatter [tilespmem:s1], [sflag:$0x2], $0x4000, $0x38;
	[tilespmem:$0x15A00] =	vst v63  }
0x352: {  	_ =	swait.ge [sflag:s17], $0x4000  }
0x353: {  	[sflag:s17] =	ssyncset.done $0x0  }
0x354: {  	[sflag:s17] =	ssyncadd.s32 $0xFFFFC000  }
0x355: {  	_ =	swait.ge [sflag:s17], $0x4000  }
0x356: {  	[sflag:s17] =	ssyncset.done $0x0  }
0x357: {  	s18 =	sadd.s32 $0x1, s18;
	[sflag:s17] =	ssyncadd.s32 $0xFFFFC000  }
0x358: {  	p0 =	sne.s32 s18, s14;
	_ =	swait.ge [sflag:s17], $0x4000  }
.Ltmp17:
0x359: {  	[sflag:s17] =	ssyncset.done $0x0;
	(pc) =	sbr.rel @p0 .LBB2_1-.Ltmp17, $4  }
0x35a: {  	[sflag:s17] =	ssyncadd.s32 $0xFFFFC000  }
0x35b: {  	_ =	swait.ge [sflag:s17], $0x4000  }
0x35c: {  	[sflag:s17] =	ssyncset.done $0x0  }
0x35d: {  	[sflag:s17] =	ssyncadd.s32 $0xFFFFC000  }
0x35e: {  	_ =	sfence.sel $0x180000  }
0x35f: {  	[bflag:$0x0] =	sbarrier.arrive $0xFFFF  }
0x360: {  	_ =	strace $0x90000047  }
0x361: {  	s0 =	stileid.u32;
	[bflag:$0x2] =	sbarrier.arrive $0xFFFF  }
0x362: {  	p0 =	sne.s32 s0, $0x0;
	s0 =	rddreg [dreg:$0x7]  }
0x363: {  	s0 =	sadd.s32 @!p0 $0x100000, s0  }
0x364: {  	[sflag:s0] =	ssyncadd.tile.s32 @!p0 $0x1;
	_ =	shalt  }
.Lfunc_end2:
_tile_overlayer_lowered:
.L_overlay_start_2:
0x365: {  	(tag) =	ssettag $0x2  }
0x366: {  	s0 =	rddreg [dreg:$0x0];
	s2 =	stileid.u32  }
0x367: {  	s1 =	rddreg [dreg:$0x1];
	p0 =	sne.s32 s2, $0x0  }
0x368: {  	s3 =	rddreg [dreg:$0x2];
	[bflag:$0x3] =	sbarrier.arrive $0xFFFF;
	s2 =	simm.s32 @!p0 $0x1C03  }
0x369: {  	[timem:s3], [sflag:s2] =	dma.local @!p0 [hbm:s0], s1  }
0x36a: {  	s0 =	simm.s32 @!p0 $0x3  }
0x36b: {  	_ =	swait.ge @!p0 [sflag:s0], s1  }
0x36c: {  	s1 =	ssub.s32 @!p0 $0x0, s1;
	[sflag:s0] =	ssyncset.done @!p0 $0x0  }
0x36d: {  	[sflag:s0] =	ssyncadd.s32 @!p0 s1  }
0x36e: {  	[bflag:$0x3] =	sbarrier.arrive $0xFFFF  }
0x36f: {  	_ =	shalt  }

</sc_bundles>
